<compile_context>
chip_gen: v7x
topology: tpu7x:2x2x1
jax: 0.10.2.dev20260603
libtpu: 0.0.44.dev20260713+nightly
codegen_flags: <defaults>
</compile_context>

<pallas_src>
import functools

import jax
import jax.numpy as jnp
from jax import lax
from jax.experimental import pallas as pl
from jax.experimental.pallas import tpu as pltpu
from jax.experimental.pallas import tpu_sc as plsc


B, At, Nbr = 2, 256, 16
N_NODE, N_EDGE = 64, 64
ROWS = B * At * Nbr
PAIRS = ROWS // 2
ATOMS = B * At
_NC, _NS = 2, 16
_NW = _NC * _NS
_PER_W = ROWS // _NW
_CH = 128
_NEG = -1e30

_T1G = 16
_AB = ATOMS // _T1G
_PB = _AB * Nbr // 2
_T2R = 256
_T2G = ROWS // _T2R
_T2A = _T2R // Nbr
_GRID = _T1G + _T2G + 1


def _dot(a, b):
    return jax.lax.dot_general(
        a, b, (((1,), (0,)), ((), ())),
        precision=jax.lax.Precision.DEFAULT,
        preferred_element_type=jnp.float32)


def _sc_gather_body(table_hbm, idx2_hbm, out_hbm,
                    idx_v, rows_v, sem_a, sem_b):
    wid = lax.axis_index("s") * _NC + lax.axis_index("c")
    base = wid * _PER_W
    pltpu.sync_copy(idx2_hbm.at[pl.ds(2 * wid, 2)], idx_v)
    ca = pltpu.async_copy(table_hbm.at[idx_v.at[0]],
                          rows_v.at[pl.ds(0, _CH)], sem_a)
    cb = pltpu.async_copy(table_hbm.at[idx_v.at[1]],
                          rows_v.at[pl.ds(_CH, _CH)], sem_b)
    ca.wait()
    cb.wait()
    pltpu.sync_copy(rows_v, out_hbm.at[pl.ds(base, _PER_W)])


@functools.cache
def _sc_gather():
    return pl.kernel(
        _sc_gather_body,
        out_type=jax.ShapeDtypeStruct((ROWS, N_NODE), jnp.float32),
        mesh=plsc.VectorSubcoreMesh(core_axis_name="c", subcore_axis_name="s",
                                    num_cores=_NC, num_subcores=_NS),
        scratch_types=[
            pltpu.VMEM((2, _CH), jnp.int32),
            pltpu.VMEM((_PER_W, N_NODE), jnp.float32),
            pltpu.SemaphoreType.DMA,
            pltpu.SemaphoreType.DMA,
        ],
        compiler_params=pltpu.CompilerParams(use_tc_tiling_on_sc=False),
    )


def _tc_body(node_ref, njp_ref, edgep_ref, mask2_ref,
             idx_ref, nj_ref, edge_ref, mask_ref,
             wc2_ref, wa_ref, wt_n_ref, wt_e_ref, bc2_ref,
             wu_nj_ref, wu_e_ref, bu_ref, gamma2_ref, beta2_ref,
             out_ref,
             tge_s, a_s, basep_s, three_s, oh_s):
    p = pl.program_id(0)

    @pl.when(p < _T1G)
    def _phase1():
        node = node_ref[...]
        njp = njp_ref[...]
        edgep = edgep_ref[...]
        mask2 = mask2_ref[...]

        lane = lax.broadcasted_iota(jnp.int32, (_PB, 128), 1)
        m_lo = mask2[:, 0:1]
        m_hi = mask2[:, 1:2]
        mfull = jnp.where(lane < 64, m_lo, m_hi)

        njmp = njp * mfull

        ndup = jnp.concatenate([node, node], axis=1)
        prodp = (njmp.reshape(_AB, 8, 128) * ndup[:, None, :]).reshape(_PB, 128)
        c2 = _dot(prodp, wc2_ref[...]) + bc2_ref[...]
        basep_s[pl.ds(p * _PB, _PB)] = (
            edgep + jax.nn.sigmoid(c2[:, :128]) * jnp.tanh(c2[:, 128:]))

        a_s[pl.ds(p * _AB, _AB)] = _dot(node, wa_ref[...])

        tge = _dot(njp, wt_n_ref[...]) + _dot(edgep, wt_e_ref[...])
        lane2 = lax.broadcasted_iota(jnp.int32, (_PB, 256), 1)
        mfull2 = jnp.where(lane2 < 64, m_lo, jnp.where(lane2 < 128, m_hi, 1.0))
        tge3 = ((tge + (mfull2 - 1.0) * (-_NEG)).astype(jnp.bfloat16)
                .reshape(_AB, 8, 256))
        for kk in range(8):
            tge_s[pl.ds(p * _AB, _AB), pl.ds(kk * 256, 256)] = tge3[:, kk, :]

        idxb = idx_ref[...]
        colsb = lax.broadcasted_iota(jnp.int32, (2 * _PB, At), 1)
        oh_s[pl.ds(p * 2 * _PB, 2 * _PB)] = (
            jnp.where(idxb == colsb, 1.0, 0.0).astype(jnp.bfloat16))

    @pl.when(jnp.logical_and(p >= _T1G, p < _T1G + _T2G))
    def _phase2():
        q = p - _T1G
        b = q // (_T2G // B)
        oh = oh_s[pl.ds(q * _T2R, _T2R)]

        njm = nj_ref[...] * mask_ref[...]
        u = (_dot(njm, wu_nj_ref[...]) + _dot(edge_ref[...], wu_e_ref[...])
             + bu_ref[...])
        ablk = a_s[pl.ds(q * _T2A, _T2A)]
        a3 = jnp.broadcast_to(ablk[:, None, :], (_T2A, Nbr, 256))
        u = u + a3.reshape(_T2R, 256)

        acc = jnp.zeros((_T2R, 128), jnp.float32)
        for kk in range(8):
            slab = tge_s[pl.ds(b * At, At), pl.ds(kk * 256, 256)]
            c = _dot(oh, slab) + u
            acc = acc + jax.nn.sigmoid(c[:, :128]) * jnp.tanh(c[:, 128:])
        three_s[pl.ds(q * _T2R, _T2R)] = acc[:, :N_EDGE] + acc[:, N_EDGE:]

    @pl.when(p == _T1G + _T2G)
    def _phase3():
        th = three_s[...].reshape(PAIRS, 2, N_EDGE)
        thp = jnp.concatenate([th[:, 0, :], th[:, 1, :]], axis=1)
        mp = jnp.mean(thp, axis=0, keepdims=True)
        mean = 0.5 * (mp[:, :N_EDGE] + mp[:, N_EDGE:])
        meanf = jnp.concatenate([mean, mean], axis=1)
        cent = thp - meanf
        vp = jnp.mean(cent * cent, axis=0, keepdims=True)
        var = 0.5 * (vp[:, :N_EDGE] + vp[:, N_EDGE:])
        varf = jnp.concatenate([var, var], axis=1)
        normed = (cent * jax.lax.rsqrt(varf + 1e-5) * gamma2_ref[...]
                  + beta2_ref[...])
        out_ref[...] = jnp.tanh(basep_s[...] + normed)


def _tc_call(node, njp, edgep, mask2, idxcol, nj, edge, mask,
             wc2, wa, wt_n, wt_e, bc2, wu_nj, wu_e, bu, gamma2, beta2):
    full = lambda shape: pl.BlockSpec(shape, lambda p: tuple(0 for _ in shape))
    t1m = lambda p: (jnp.minimum(p, _T1G - 1), 0)
    t2m = lambda p: (jnp.clip(p - _T1G, 0, _T2G - 1), 0)
    return pl.pallas_call(
        _tc_body,
        grid=(_GRID,),
        in_specs=[
            pl.BlockSpec((_AB, N_NODE), t1m),
            pl.BlockSpec((_PB, 128), t1m),
            pl.BlockSpec((_PB, 128), t1m),
            pl.BlockSpec((_PB, 2), t1m),
            pl.BlockSpec((2 * _PB, 1), t1m),
            pl.BlockSpec((_T2R, N_NODE), t2m),
            pl.BlockSpec((_T2R, N_EDGE), t2m),
            pl.BlockSpec((_T2R, 1), t2m),
            full((128, 256)), full((64, 256)), full((128, 256)),
            full((128, 256)), full((1, 256)), full((64, 256)),
            full((64, 256)), full((1, 256)), full((1, 128)), full((1, 128)),
        ],
        out_specs=pl.BlockSpec((PAIRS, 128), lambda p: (0, 0)),
        out_shape=jax.ShapeDtypeStruct((PAIRS, 128), jnp.float32),
        scratch_shapes=[
            pltpu.VMEM((ATOMS, 8 * 256), jnp.bfloat16),
            pltpu.VMEM((ATOMS, 256), jnp.float32),
            pltpu.VMEM((PAIRS, 128), jnp.float32),
            pltpu.VMEM((ROWS, N_EDGE), jnp.float32),
            pltpu.VMEM((ROWS, At), jnp.bfloat16),
        ],
    )(node, njp, edgep, mask2, idxcol, nj, edge, mask,
      wc2, wa, wt_n, wt_e, bc2, wu_nj, wu_e, bu, gamma2, beta2)


def _bd(w):
    z = jnp.zeros((128, 128), dtype=w.dtype)
    return z.at[:64, :64].set(w).at[64:, 64:].set(w)


def kernel(node_embedding, edge_embedding, nbr_idx, nbr_mask,
           W2, b2, W3, b3, bn_gamma, bn_beta):
    assert node_embedding.shape == (B, At, N_NODE)
    assert edge_embedding.shape == (B, At, Nbr, N_EDGE)

    node_flat = node_embedding.reshape(ATOMS, N_NODE)
    edge_flat = edge_embedding.reshape(ROWS, N_EDGE)
    edgep = edge_embedding.reshape(PAIRS, 2 * N_EDGE)
    mask_flat = nbr_mask.reshape(ROWS, 1)
    mask2 = nbr_mask.reshape(PAIRS, 2)
    offs = (jnp.arange(B, dtype=jnp.int32) * At)[:, None, None]
    g_idx = (nbr_idx + offs).reshape(ROWS)

    w2t, w3t = W2.T, W3.T
    w3ni, w3nj, w3nk = w3t[0:64], w3t[64:128], w3t[128:192]
    w3eij, w3ejk = w3t[192:256], w3t[256:320]

    def dup(w):
        return jnp.concatenate([w[:, :64], w[:, :64], w[:, 64:], w[:, 64:]], axis=1)

    wc2 = jnp.concatenate([_bd(w2t[:, :64]), _bd(w2t[:, 64:])], axis=1)
    wt_n = jnp.concatenate([_bd(w3nk[:, :64]), _bd(w3nk[:, 64:])], axis=1)
    wt_e = jnp.concatenate([_bd(w3ejk[:, :64]), _bd(w3ejk[:, 64:])], axis=1)
    wu_nj = dup(w3nj)
    wu_e = dup(w3eij)
    wa = dup(w3ni)
    bc2 = jnp.concatenate([b2[:64], b2[:64], b2[64:], b2[64:]]).reshape(1, 256)
    bu = jnp.concatenate([b3[:64], b3[:64], b3[64:], b3[64:]]).reshape(1, 256)
    gamma2 = jnp.concatenate([bn_gamma, bn_gamma]).reshape(1, 128)
    beta2 = jnp.concatenate([bn_beta, bn_beta]).reshape(1, 128)

    nj = _sc_gather()(node_flat, g_idx.reshape(_NW * 2, _CH))
    njp = nj.reshape(PAIRS, 2 * N_NODE)

    outp = _tc_call(node_flat, njp, edgep, mask2,
                    nbr_idx.reshape(ROWS, 1), nj, edge_flat, mask_flat,
                    wc2, wa, wt_n, wt_e, bc2, wu_nj, wu_e, bu, gamma2, beta2)
    return outp.reshape(B, At, Nbr, N_EDGE)

# --- scband reference (transcript-rebuilt; emitter-appended) ---
"""Pipeline reference for scband-edge-update-2860448219508 (READ-ONLY COPY).

The authoritative reference and input builder live on the scoring server;
editing this copy changes nothing except your own understanding.
"""

import jax, jax.numpy as jnp
import numpy as np

B, At, Nbr = 2, 256, 16
N_NODE, N_EDGE = 64, 64


def setup_inputs(seed: int = 0) -> dict:
    key = jax.random.key(seed)
    ks = jax.random.split(key, 10)
    node_embedding = jax.random.normal(ks[0], (B, At, N_NODE), dtype=jnp.float32)
    edge_embedding = jax.random.normal(ks[1], (B, At, Nbr, N_EDGE), dtype=jnp.float32)
    nbr_idx = jax.random.randint(ks[2], (B, At, Nbr), 0, At, dtype=jnp.int32)
    nbr_mask = jax.random.randint(ks[3], (B, At, Nbr), 0, 2).astype(jnp.float32)
    W2 = jax.random.normal(ks[4], (2 * N_EDGE, N_NODE), dtype=jnp.float32) / np.sqrt(N_NODE)
    b2 = jnp.zeros((2 * N_EDGE,), dtype=jnp.float32)
    d3 = 3 * N_NODE + 2 * N_EDGE
    W3 = jax.random.normal(ks[5], (2 * N_EDGE, d3), dtype=jnp.float32) / np.sqrt(d3)
    b3 = jnp.zeros((2 * N_EDGE,), dtype=jnp.float32)
    bn_gamma = jnp.ones((N_EDGE,), dtype=jnp.float32)
    bn_beta = jnp.zeros((N_EDGE,), dtype=jnp.float32)
    return {"node_embedding": node_embedding, "edge_embedding": edge_embedding,
            "nbr_idx": nbr_idx, "nbr_mask": nbr_mask,
            "W2": W2, "b2": b2, "W3": W3, "b3": b3,
            "bn_gamma": bn_gamma, "bn_beta": bn_beta}


def reference(node_embedding, edge_embedding, nbr_idx, nbr_mask, W2, b2, W3, b3, bn_gamma, bn_beta):
    B_, At_, Nbr_, n_edge = edge_embedding.shape
    n_node = node_embedding.shape[-1]
    # node_i: (B, At, Nbr, n_node)
    node_i = jnp.broadcast_to(node_embedding[:, :, None, :], (B_, At_, Nbr_, n_node))
    # node_j: gather neighbor embeddings (torch.gather along atom dim)
    flat_idx = nbr_idx.reshape(B_, At_ * Nbr_, 1)
    node_j = jnp.take_along_axis(node_embedding, flat_idx, axis=1).reshape(B_, At_, Nbr_, n_node)
    node_j = jnp.where(nbr_mask[..., None] == 0, 0.0, node_j)
    # two-body term
    c2 = node_i * node_j
    c2 = c2 @ W2.T + b2
    g2, e2 = jnp.split(c2, 2, axis=3)
    two_body = jax.nn.sigmoid(g2) * jnp.tanh(e2)
    # triplet gathers: nbr_of_j[b,i,j,k] = nbr_idx[b, nbr_idx[b,i,j], k]
    nbr_of_j = jax.vmap(lambda nb: nb[nb])(nbr_idx)  # (B, At, Nbr, Nbr)
    node_k = jax.vmap(lambda ne, idx: ne[idx])(node_embedding, nbr_of_j)  # (B, At, Nbr, Nbr, n_node)
    edge_jk = jax.vmap(lambda ee, nb: ee[nb])(edge_embedding, nbr_idx)    # (B, At, Nbr, Nbr, n_edge)
    mask_jk = jax.vmap(lambda m, nb: m[nb])(nbr_mask, nbr_idx)            # (B, At, Nbr, Nbr)
    edge_ij = jnp.broadcast_to(edge_embedding[:, :, :, None, :], (B_, At_, Nbr_, Nbr_, n_edge))
    node_i_e = jnp.broadcast_to(node_i[:, :, :, None, :], (B_, At_, Nbr_, Nbr_, n_node))
    node_j_e = jnp.broadcast_to(node_j[:, :, :, None, :], (B_, At_, Nbr_, Nbr_, n_node))
    c3 = jnp.concatenate([node_i_e, node_j_e, node_k, edge_ij, edge_jk], axis=4)
    c3 = c3 @ W3.T + b3
    g3, e3 = jnp.split(c3, 2, axis=4)
    three = jax.nn.sigmoid(g3) * jnp.tanh(e3)
    three = three * mask_jk[..., None]
    three = jnp.sum(three, axis=3)  # (B, At, Nbr, n_edge)
    # BatchNorm1d in training mode (batch statistics, biased variance)
    flat = three.reshape(-1, n_edge)
    mean = jnp.mean(flat, axis=0)
    var = jnp.var(flat, axis=0)
    normed = (flat - mean) / jnp.sqrt(var + 1e-5) * bn_gamma + bn_beta
    three = normed.reshape(B_, At_, Nbr_, n_edge)
    return jnp.tanh(edge_embedding + two_body + three)

if __name__ == "__main__":
    import jax
    _d = setup_inputs()
    print(jax.jit(kernel)(*tuple(_d.values())))

</pallas_src>

<mosaic_0001>
#map = affine_map<(d0, d1) -> (0, 0)>
module attributes {stable_mosaic.version = 14 : i64} {
  func.func @_sc_gather_body(%arg0: i32, %arg1: i32, %arg2: memref<512x64xf32, #tpu.memory_space<hbm>>, %arg3: memref<64x128xi32, #tpu.memory_space<hbm>>, %arg4: memref<8192x64xf32, #tpu.memory_space<hbm>>, %arg5: memref<2x128xi32, #tpu.memory_space<vmem>>, %arg6: memref<256x64xf32, #tpu.memory_space<vmem>>, %arg7: memref<!tpu.dma_semaphore, #tpu.memory_space<semaphore_mem>>, %arg8: memref<!tpu.dma_semaphore, #tpu.memory_space<semaphore_mem>>) attributes {dimension_semantics = [#tpu.dimension_semantics<core_parallel>, #tpu.dimension_semantics<subcore_parallel>], iteration_bounds = array<i64: 2, 16>, scalar_prefetch = 0 : i64, scratch_operands = 4 : i64, tpu.core_type = #tpu.core_type<sc_vector_subcore>, window_params = [{transform_indices = #map}, {transform_indices = #map}, {transform_indices = #map}]} {
    %mul3A = arith.constant 2 : i32
    %mul3A_0 = arith.muli %arg1, %mul3A : i32
    %add3A = arith.addi %mul3A_0, %arg0 : i32
    %mul3A_1 = arith.constant 256 : i32
    %mul3A_2 = arith.muli %add3A, %mul3A_1 : i32
    %mul3A_3 = arith.constant 2 : i32
    %mul3A_4 = arith.muli %mul3A_3, %add3A : i32
    "tpu.region"() ({
      %run_scoped3A = tpu.sem_alloc : memref<!tpu.dma_semaphore, #tpu.memory_space<semaphore_mem>>
      %dma_start3A_43 = arith.constant 0 : i32
      %dma_start3A_44 = tpu.memref_slice %arg3[%mul3A_4, %dma_start3A_43] : memref<64x128xi32, #tpu.memory_space<hbm>> -> memref<2x128xi32, #tpu.memory_space<hbm>>
      %dma_start3A_45 = arith.constant 0 : i32
      %dma_start3A_46 = tpu.memref_slice %arg3[%mul3A_4, %dma_start3A_45] : memref<64x128xi32, #tpu.memory_space<hbm>> -> memref<2x128xi32, #tpu.memory_space<hbm>>
      tpu.enqueue_dma source(%dma_start3A_46 : memref<2x128xi32, #tpu.memory_space<hbm>>) target(%arg5 : memref<2x128xi32, #tpu.memory_space<vmem>>) target_semaphore(%run_scoped3A : memref<!tpu.dma_semaphore, #tpu.memory_space<semaphore_mem>>)
      %dma_wait3A_47 = arith.constant 0 : i32
      %dma_wait3A_48 = tpu.memref_slice %arg3[%mul3A_4, %dma_wait3A_47] : memref<64x128xi32, #tpu.memory_space<hbm>> -> memref<2x128xi32, #tpu.memory_space<hbm>>
      %dma_wait3A_49 = arith.constant 0 : i32
      %dma_wait3A_50 = tpu.memref_slice %arg3[%mul3A_4, %dma_wait3A_49] : memref<64x128xi32, #tpu.memory_space<hbm>> -> memref<2x128xi32, #tpu.memory_space<hbm>>
      tpu.wait_dma2 semaphore(%run_scoped3A : memref<!tpu.dma_semaphore, #tpu.memory_space<semaphore_mem>>) src(%dma_wait3A_50 : memref<2x128xi32, #tpu.memory_space<hbm>>) dst(%arg5 : memref<2x128xi32, #tpu.memory_space<vmem>>)
      tpu.yield
    }) : () -> ()
    %dma_start3A = arith.constant 0 : i32
    %dma_start3A_5 = arith.constant 0 : i32
    %dma_start3A_6 = arith.constant 0 : i32
    %dma_start3A_7 = tpu.memref_slice %arg6[%dma_start3A_5, %dma_start3A_6] : memref<256x64xf32, #tpu.memory_space<vmem>> -> memref<128x64xf32, #tpu.memory_space<vmem>>
    %dma_start3A_8 = arith.constant 0 : i32
    %dma_start3A_9 = tpu.memref_slice %arg5[%dma_start3A, %dma_start3A_8] : memref<2x128xi32, #tpu.memory_space<vmem>> -> memref<1x128xi32, #tpu.memory_space<vmem>>
    %dma_start3A_10 = tpu.memref_squeeze %dma_start3A_9 : memref<1x128xi32, #tpu.memory_space<vmem>> -> memref<128xi32, #tpu.memory_space<vmem>>
    %dma_start3A_11 = arith.constant 0 : i32
    %dma_start3A_12 = arith.constant 0 : i32
    %dma_start3A_13 = tpu.memref_slice %arg2[%dma_start3A_11, %dma_start3A_12] : memref<512x64xf32, #tpu.memory_space<hbm>> -> memref<512x64xf32, #tpu.memory_space<hbm>>
    tpu.enqueue_indirect_dma source(%dma_start3A_13 : memref<512x64xf32, #tpu.memory_space<hbm>>) target(%dma_start3A_7 : memref<128x64xf32, #tpu.memory_space<vmem>>) offsets(%dma_start3A_10 : memref<128xi32, #tpu.memory_space<vmem>>) semaphore(%arg7 : memref<!tpu.dma_semaphore, #tpu.memory_space<semaphore_mem>>)
    %dma_start3A_14 = arith.constant 1 : i32
    %dma_start3A_15 = arith.constant 128 : i32
    %dma_start3A_16 = arith.constant 0 : i32
    %dma_start3A_17 = tpu.memref_slice %arg6[%dma_start3A_15, %dma_start3A_16] : memref<256x64xf32, #tpu.memory_space<vmem>> -> memref<128x64xf32, #tpu.memory_space<vmem>>
    %dma_start3A_18 = arith.constant 0 : i32
    %dma_start3A_19 = tpu.memref_slice %arg5[%dma_start3A_14, %dma_start3A_18] : memref<2x128xi32, #tpu.memory_space<vmem>> -> memref<1x128xi32, #tpu.memory_space<vmem>>
    %dma_start3A_20 = tpu.memref_squeeze %dma_start3A_19 : memref<1x128xi32, #tpu.memory_space<vmem>> -> memref<128xi32, #tpu.memory_space<vmem>>
    %dma_start3A_21 = arith.constant 0 : i32
    %dma_start3A_22 = arith.constant 0 : i32
    %dma_start3A_23 = tpu.memref_slice %arg2[%dma_start3A_21, %dma_start3A_22] : memref<512x64xf32, #tpu.memory_space<hbm>> -> memref<512x64xf32, #tpu.memory_space<hbm>>
    tpu.enqueue_indirect_dma source(%dma_start3A_23 : memref<512x64xf32, #tpu.memory_space<hbm>>) target(%dma_start3A_17 : memref<128x64xf32, #tpu.memory_space<vmem>>) offsets(%dma_start3A_20 : memref<128xi32, #tpu.memory_space<vmem>>) semaphore(%arg8 : memref<!tpu.dma_semaphore, #tpu.memory_space<semaphore_mem>>)
    %dma_wait3A = arith.constant 0 : i32
    %dma_wait3A_24 = arith.constant 0 : i32
    %dma_wait3A_25 = arith.constant 0 : i32
    %dma_wait3A_26 = tpu.memref_slice %arg6[%dma_wait3A_24, %dma_wait3A_25] : memref<256x64xf32, #tpu.memory_space<vmem>> -> memref<128x64xf32, #tpu.memory_space<vmem>>
    %dma_wait3A_27 = arith.constant 0 : i32
    %dma_wait3A_28 = tpu.memref_slice %arg5[%dma_wait3A, %dma_wait3A_27] : memref<2x128xi32, #tpu.memory_space<vmem>> -> memref<1x128xi32, #tpu.memory_space<vmem>>
    %dma_wait3A_29 = tpu.memref_squeeze %dma_wait3A_28 : memref<1x128xi32, #tpu.memory_space<vmem>> -> memref<128xi32, #tpu.memory_space<vmem>>
    %dma_wait3A_30 = arith.constant 0 : i32
    %dma_wait3A_31 = arith.constant 0 : i32
    %dma_wait3A_32 = tpu.memref_slice %arg2[%dma_wait3A_30, %dma_wait3A_31] : memref<512x64xf32, #tpu.memory_space<hbm>> -> memref<512x64xf32, #tpu.memory_space<hbm>>
    tpu.wait_indirect_dma semaphore(%arg7 : memref<!tpu.dma_semaphore, #tpu.memory_space<semaphore_mem>>) src(%dma_wait3A_32 : memref<512x64xf32, #tpu.memory_space<hbm>>) dst(%dma_wait3A_26 : memref<128x64xf32, #tpu.memory_space<vmem>>)
    %dma_wait3A_33 = arith.constant 1 : i32
    %dma_wait3A_34 = arith.constant 128 : i32
    %dma_wait3A_35 = arith.constant 0 : i32
    %dma_wait3A_36 = tpu.memref_slice %arg6[%dma_wait3A_34, %dma_wait3A_35] : memref<256x64xf32, #tpu.memory_space<vmem>> -> memref<128x64xf32, #tpu.memory_space<vmem>>
    %dma_wait3A_37 = arith.constant 0 : i32
    %dma_wait3A_38 = tpu.memref_slice %arg5[%dma_wait3A_33, %dma_wait3A_37] : memref<2x128xi32, #tpu.memory_space<vmem>> -> memref<1x128xi32, #tpu.memory_space<vmem>>
    %dma_wait3A_39 = tpu.memref_squeeze %dma_wait3A_38 : memref<1x128xi32, #tpu.memory_space<vmem>> -> memref<128xi32, #tpu.memory_space<vmem>>
    %dma_wait3A_40 = arith.constant 0 : i32
    %dma_wait3A_41 = arith.constant 0 : i32
    %dma_wait3A_42 = tpu.memref_slice %arg2[%dma_wait3A_40, %dma_wait3A_41] : memref<512x64xf32, #tpu.memory_space<hbm>> -> memref<512x64xf32, #tpu.memory_space<hbm>>
    tpu.wait_indirect_dma semaphore(%arg8 : memref<!tpu.dma_semaphore, #tpu.memory_space<semaphore_mem>>) src(%dma_wait3A_42 : memref<512x64xf32, #tpu.memory_space<hbm>>) dst(%dma_wait3A_36 : memref<128x64xf32, #tpu.memory_space<vmem>>)
    "tpu.region"() ({
      %run_scoped3A = tpu.sem_alloc : memref<!tpu.dma_semaphore, #tpu.memory_space<semaphore_mem>>
      %dma_start3A_43 = arith.constant 0 : i32
      %dma_start3A_44 = tpu.memref_slice %arg4[%mul3A_2, %dma_start3A_43] : memref<8192x64xf32, #tpu.memory_space<hbm>> -> memref<256x64xf32, #tpu.memory_space<hbm>>
      %dma_start3A_45 = arith.constant 0 : i32
      %dma_start3A_46 = tpu.memref_slice %arg4[%mul3A_2, %dma_start3A_45] : memref<8192x64xf32, #tpu.memory_space<hbm>> -> memref<256x64xf32, #tpu.memory_space<hbm>>
      tpu.enqueue_dma source(%arg6 : memref<256x64xf32, #tpu.memory_space<vmem>>) target(%dma_start3A_46 : memref<256x64xf32, #tpu.memory_space<hbm>>) target_semaphore(%run_scoped3A : memref<!tpu.dma_semaphore, #tpu.memory_space<semaphore_mem>>)
      %dma_wait3A_47 = arith.constant 0 : i32
      %dma_wait3A_48 = tpu.memref_slice %arg4[%mul3A_2, %dma_wait3A_47] : memref<8192x64xf32, #tpu.memory_space<hbm>> -> memref<256x64xf32, #tpu.memory_space<hbm>>
      %dma_wait3A_49 = arith.constant 0 : i32
      %dma_wait3A_50 = tpu.memref_slice %arg4[%mul3A_2, %dma_wait3A_49] : memref<8192x64xf32, #tpu.memory_space<hbm>> -> memref<256x64xf32, #tpu.memory_space<hbm>>
      tpu.wait_dma2 semaphore(%run_scoped3A : memref<!tpu.dma_semaphore, #tpu.memory_space<semaphore_mem>>) src(%arg6 : memref<256x64xf32, #tpu.memory_space<vmem>>) dst(%dma_wait3A_50 : memref<256x64xf32, #tpu.memory_space<hbm>>)
      tpu.yield
    }) : () -> ()
    return
  }
}

module attributes {stable_mosaic.version = 14 : i64} {
  func.func @_tc_body(%arg0: i32, %arg1: memref<32x64xf32, #tpu.memory_space<vmem>>, %arg2: memref<256x128xf32, #tpu.memory_space<vmem>>, %arg3: memref<256x128xf32, #tpu.memory_space<vmem>>, %arg4: memref<256x2xf32, #tpu.memory_space<vmem>>, %arg5: memref<512x1xi32, #tpu.memory_space<vmem>>, %arg6: memref<256x64xf32, #tpu.memory_space<vmem>>, %arg7: memref<256x64xf32, #tpu.memory_space<vmem>>, %arg8: memref<256x1xf32, #tpu.memory_space<vmem>>, %arg9: memref<128x256xf32, #tpu.memory_space<vmem>>, %arg10: memref<64x256xf32, #tpu.memory_space<vmem>>, %arg11: memref<128x256xf32, #tpu.memory_space<vmem>>, %arg12: memref<128x256xf32, #tpu.memory_space<vmem>>, %arg13: memref<1x256xf32, #tpu.memory_space<vmem>>, %arg14: memref<64x256xf32, #tpu.memory_space<vmem>>, %arg15: memref<64x256xf32, #tpu.memory_space<vmem>>, %arg16: memref<1x256xf32, #tpu.memory_space<vmem>>, %arg17: memref<1x128xf32, #tpu.memory_space<vmem>>, %arg18: memref<1x128xf32, #tpu.memory_space<vmem>>, %arg19: memref<4096x128xf32, #tpu.memory_space<vmem>>, %arg20: memref<512x2048xbf16, #tpu.memory_space<vmem>>, %arg21: memref<512x256xf32, #tpu.memory_space<vmem>>, %arg22: memref<4096x128xf32, #tpu.memory_space<vmem>>, %arg23: memref<8192x64xf32, #tpu.memory_space<vmem>>, %arg24: memref<8192x256xbf16, #tpu.memory_space<vmem>>) attributes {dimension_semantics = [#tpu.dimension_semantics<arbitrary>], iteration_bounds = array<i64: 49>, scalar_prefetch = 0 : i64, scratch_operands = 5 : i64, tpu.core_type = #tpu.core_type<tc>, window_params = [{transform_indices = @transform_0, window_bounds = array<i64: 32, 64>}, {transform_indices = @transform_1, window_bounds = array<i64: 256, 128>}, {transform_indices = @transform_2, window_bounds = array<i64: 256, 128>}, {transform_indices = @transform_3, window_bounds = array<i64: 256, 2>}, {transform_indices = @transform_4, window_bounds = array<i64: 512, 1>}, {transform_indices = @transform_5, window_bounds = array<i64: 256, 64>}, {transform_indices = @transform_6, window_bounds = array<i64: 256, 64>}, {transform_indices = @transform_7, window_bounds = array<i64: 256, 1>}, {pipeline_mode = #tpu.pipeline_mode<synchronous>, transform_indices = @transform_8, window_bounds = array<i64: 128, 256>}, {pipeline_mode = #tpu.pipeline_mode<synchronous>, transform_indices = @transform_9, window_bounds = array<i64: 64, 256>}, {pipeline_mode = #tpu.pipeline_mode<synchronous>, transform_indices = @transform_10, window_bounds = array<i64: 128, 256>}, {pipeline_mode = #tpu.pipeline_mode<synchronous>, transform_indices = @transform_11, window_bounds = array<i64: 128, 256>}, {pipeline_mode = #tpu.pipeline_mode<synchronous>, transform_indices = @transform_12, window_bounds = array<i64: 1, 256>}, {pipeline_mode = #tpu.pipeline_mode<synchronous>, transform_indices = @transform_13, window_bounds = array<i64: 64, 256>}, {pipeline_mode = #tpu.pipeline_mode<synchronous>, transform_indices = @transform_14, window_bounds = array<i64: 64, 256>}, {pipeline_mode = #tpu.pipeline_mode<synchronous>, transform_indices = @transform_15, window_bounds = array<i64: 1, 256>}, {pipeline_mode = #tpu.pipeline_mode<synchronous>, transform_indices = @transform_16, window_bounds = array<i64: 1, 128>}, {pipeline_mode = #tpu.pipeline_mode<synchronous>, transform_indices = @transform_17, window_bounds = array<i64: 1, 128>}, {pipeline_mode = #tpu.pipeline_mode<synchronous>, transform_indices = @transform_18, window_bounds = array<i64: 4096, 128>}]} {
    %lt3A = arith.constant 16 : i32
    %lt3A_0 = arith.cmpi slt, %arg0, %lt3A : i32
    %convert_element_type3A = arith.extui %lt3A_0 : i1 to i32
    %cond3A = arith.constant 0 : i32
    %cond3A_1 = arith.cmpi ne, %convert_element_type3A, %cond3A : i32
    scf.if %cond3A_1 {
      %get3A = arith.constant 0 : index
      %get3A_12 = arith.constant 0 : index
      %get3A_13 = vector.load %arg1[%get3A, %get3A_12] : memref<32x64xf32, #tpu.memory_space<vmem>>, vector<32x64xf32>
      %get3A_14 = arith.constant 0 : index
      %get3A_15 = arith.constant 0 : index
      %get3A_16 = vector.load %arg2[%get3A_14, %get3A_15] : memref<256x128xf32, #tpu.memory_space<vmem>>, vector<256x128xf32>
      %get3A_17 = arith.constant 0 : index
      %get3A_18 = arith.constant 0 : index
      %get3A_19 = vector.load %arg3[%get3A_17, %get3A_18] : memref<256x128xf32, #tpu.memory_space<vmem>>, vector<256x128xf32>
      %get3A_20 = arith.constant 0 : index
      %get3A_21 = arith.constant 0 : index
      %get3A_22 = vector.load %arg4[%get3A_20, %get3A_21] : memref<256x2xf32, #tpu.memory_space<vmem>>, vector<256x2xf32>
      %iota3A = tpu.iota {dimensions = array<i32: 1>} : vector<256x128xi32>
      %slice3A = vector.extract_strided_slice %get3A_22 {offsets = [0, 0], sizes = [256, 1], strides = [1, 1]} : vector<256x2xf32> to vector<256x1xf32>
      %slice3A_23 = vector.extract_strided_slice %get3A_22 {offsets = [0, 1], sizes = [256, 1], strides = [1, 1]} : vector<256x2xf32> to vector<256x1xf32>
      %lt3A_24 = arith.constant 64 : i32
      %lt3A_25 = vector.broadcast %lt3A_24 : i32 to vector<256x128xi32>
      %lt3A_26 = arith.cmpi slt, %iota3A, %lt3A_25 : vector<256x128xi32>
      %broadcast_in_dim3A = vector.shape_cast %slice3A : vector<256x1xf32> to vector<256x1xf32>
      %broadcast_in_dim3A_27 = vector.broadcast %broadcast_in_dim3A : vector<256x1xf32> to vector<256x128xf32>
      %broadcast_in_dim3A_28 = vector.shape_cast %slice3A_23 : vector<256x1xf32> to vector<256x1xf32>
      %broadcast_in_dim3A_29 = vector.broadcast %broadcast_in_dim3A_28 : vector<256x1xf32> to vector<256x128xf32>
      %select_n3A = arith.select %lt3A_26, %broadcast_in_dim3A_27, %broadcast_in_dim3A_29 : vector<256x128xi1>, vector<256x128xf32>
      %mul3A = arith.mulf %get3A_16, %select_n3A : vector<256x128xf32>
      %concatenate3A = tpu.concatenate %get3A_13, %get3A_13 in 1 : vector<32x64xf32>, vector<32x64xf32> -> vector<32x128xf32>
      %reshape3A = vector.shape_cast %mul3A : vector<256x128xf32> to vector<32x8x128xf32>
      %broadcast_in_dim3A_30 = vector.shape_cast %concatenate3A : vector<32x128xf32> to vector<32x1x128xf32>
      %mul3A_31 = vector.broadcast %broadcast_in_dim3A_30 : vector<32x1x128xf32> to vector<32x8x128xf32>
      %mul3A_32 = arith.mulf %reshape3A, %mul3A_31 : vector<32x8x128xf32>
      %reshape3A_33 = vector.shape_cast %mul3A_32 : vector<32x8x128xf32> to vector<256x128xf32>
      %get3A_34 = arith.constant 0 : index
      %get3A_35 = arith.constant 0 : index
      %get3A_36 = vector.load %arg9[%get3A_34, %get3A_35] : memref<128x256xf32, #tpu.memory_space<vmem>>, vector<128x256xf32>
      %dot_general3A = arith.constant dense<0.000000e+00> : vector<256x256xf32>
      %dot_general3A_37 = tpu.matmul %reshape3A_33, %get3A_36, %dot_general3A {dimension_numbers = #tpu.dot_dimension_numbers<[1], [0], [0], [1], [0, 0, 1, 1], [], []>, transpose_lhs_hint = false} : vector<256x128xf32>, vector<128x256xf32>, vector<256x256xf32> -> vector<256x256xf32>
      %get3A_38 = arith.constant 0 : index
      %get3A_39 = arith.constant 0 : index
      %get3A_40 = vector.load %arg13[%get3A_38, %get3A_39] : memref<1x256xf32, #tpu.memory_space<vmem>>, vector<1x256xf32>
      %add3A = vector.broadcast %get3A_40 : vector<1x256xf32> to vector<256x256xf32>
      %add3A_41 = arith.addf %dot_general3A_37, %add3A : vector<256x256xf32>
      %slice3A_42 = vector.extract_strided_slice %add3A_41 {offsets = [0, 0], sizes = [256, 128], strides = [1, 1]} : vector<256x256xf32> to vector<256x128xf32>
      %logistic3A = arith.negf %slice3A_42 : vector<256x128xf32>
      %logistic3A_43 = math.exp %logistic3A : vector<256x128xf32>
      %logistic3A_44 = arith.constant 1.000000e+00 : f32
      %logistic3A_45 = vector.broadcast %logistic3A_44 : f32 to vector<256x128xf32>
      %logistic3A_46 = arith.addf %logistic3A_45, %logistic3A_43 : vector<256x128xf32>
      %logistic3A_47 = arith.divf %logistic3A_45, %logistic3A_46 : vector<256x128xf32>
      %slice3A_48 = vector.extract_strided_slice %add3A_41 {offsets = [0, 128], sizes = [256, 128], strides = [1, 1]} : vector<256x256xf32> to vector<256x128xf32>
      %tanh3A = math.tanh %slice3A_48 : vector<256x128xf32>
      %mul3A_49 = arith.mulf %logistic3A_47, %tanh3A : vector<256x128xf32>
      %add3A_50 = arith.addf %get3A_19, %mul3A_49 : vector<256x128xf32>
      %mul3A_51 = arith.constant 256 : i32
      %mul3A_52 = arith.muli %arg0, %mul3A_51 : i32
      %swap3A = arith.index_cast %mul3A_52 : i32 to index
      %swap3A_53 = arith.constant 0 : index
      %swap3A_54 = vector.load %arg22[%swap3A, %swap3A_53] : memref<4096x128xf32, #tpu.memory_space<vmem>>, vector<256x128xf32>
      tpu.vector_store %arg22[%swap3A, %swap3A_53], %add3A_50 {strides = array<i32>} : memref<4096x128xf32, #tpu.memory_space<vmem>>, vector<256x128xf32>,
      %get3A_55 = arith.constant 0 : index
      %get3A_56 = arith.constant 0 : index
      %get3A_57 = vector.load %arg10[%get3A_55, %get3A_56] : memref<64x256xf32, #tpu.memory_space<vmem>>, vector<64x256xf32>
      %dot_general3A_58 = arith.constant dense<0.000000e+00> : vector<32x256xf32>
      %dot_general3A_59 = tpu.matmul %get3A_13, %get3A_57, %dot_general3A_58 {dimension_numbers = #tpu.dot_dimension_numbers<[1], [0], [0], [1], [0, 0, 1, 1], [], []>, transpose_lhs_hint = false} : vector<32x64xf32>, vector<64x256xf32>, vector<32x256xf32> -> vector<32x256xf32>
      %mul3A_60 = arith.constant 32 : i32
      %mul3A_61 = arith.muli %arg0, %mul3A_60 : i32
      %swap3A_62 = arith.index_cast %mul3A_61 : i32 to index
      %swap3A_63 = arith.constant 0 : index
      %swap3A_64 = vector.load %arg21[%swap3A_62, %swap3A_63] : memref<512x256xf32, #tpu.memory_space<vmem>>, vector<32x256xf32>
      tpu.vector_store %arg21[%swap3A_62, %swap3A_63], %dot_general3A_59 {strides = array<i32>} : memref<512x256xf32, #tpu.memory_space<vmem>>, vector<32x256xf32>,
      %get3A_65 = arith.constant 0 : index
      %get3A_66 = arith.constant 0 : index
      %get3A_67 = vector.load %arg11[%get3A_65, %get3A_66] : memref<128x256xf32, #tpu.memory_space<vmem>>, vector<128x256xf32>
      %dot_general3A_68 = arith.constant dense<0.000000e+00> : vector<256x256xf32>
      %dot_general3A_69 = tpu.matmul %get3A_16, %get3A_67, %dot_general3A_68 {dimension_numbers = #tpu.dot_dimension_numbers<[1], [0], [0], [1], [0, 0, 1, 1], [], []>, transpose_lhs_hint = false} : vector<256x128xf32>, vector<128x256xf32>, vector<256x256xf32> -> vector<256x256xf32>
      %get3A_70 = arith.constant 0 : index
      %get3A_71 = arith.constant 0 : index
      %get3A_72 = vector.load %arg12[%get3A_70, %get3A_71] : memref<128x256xf32, #tpu.memory_space<vmem>>, vector<128x256xf32>
      %dot_general3A_73 = arith.constant dense<0.000000e+00> : vector<256x256xf32>
      %dot_general3A_74 = tpu.matmul %get3A_19, %get3A_72, %dot_general3A_73 {dimension_numbers = #tpu.dot_dimension_numbers<[1], [0], [0], [1], [0, 0, 1, 1], [], []>, transpose_lhs_hint = false} : vector<256x128xf32>, vector<128x256xf32>, vector<256x256xf32> -> vector<256x256xf32>
      %add3A_75 = arith.addf %dot_general3A_69, %dot_general3A_74 : vector<256x256xf32>
      %iota3A_76 = tpu.iota {dimensions = array<i32: 1>} : vector<256x256xi32>
      %lt3A_77 = arith.constant 64 : i32
      %lt3A_78 = vector.broadcast %lt3A_77 : i32 to vector<256x256xi32>
      %lt3A_79 = arith.cmpi slt, %iota3A_76, %lt3A_78 : vector<256x256xi32>
      %lt3A_80 = arith.constant 128 : i32
      %lt3A_81 = vector.broadcast %lt3A_80 : i32 to vector<256x256xi32>
      %lt3A_82 = arith.cmpi slt, %iota3A_76, %lt3A_81 : vector<256x256xi32>
      %jit3A = arith.constant 1.000000e+00 : f32
      %broadcast_in_dim3A_83 = vector.shape_cast %slice3A_23 : vector<256x1xf32> to vector<256x1xf32>
      %broadcast_in_dim3A_84 = vector.broadcast %broadcast_in_dim3A_83 : vector<256x1xf32> to vector<256x256xf32>
      %broadcast_in_dim3A_85 = vector.broadcast %jit3A : f32 to vector<256x256xf32>
      %select_n3A_86 = arith.select %lt3A_82, %broadcast_in_dim3A_84, %broadcast_in_dim3A_85 : vector<256x256xi1>, vector<256x256xf32>
      %broadcast_in_dim3A_87 = vector.shape_cast %slice3A : vector<256x1xf32> to vector<256x1xf32>
      %broadcast_in_dim3A_88 = vector.broadcast %broadcast_in_dim3A_87 : vector<256x1xf32> to vector<256x256xf32>
      %select_n3A_89 = arith.select %lt3A_79, %broadcast_in_dim3A_88, %select_n3A_86 : vector<256x256xi1>, vector<256x256xf32>
      %sub3A = arith.constant 1.000000e+00 : f32
      %sub3A_90 = vector.broadcast %sub3A : f32 to vector<256x256xf32>
      %sub3A_91 = arith.subf %select_n3A_89, %sub3A_90 : vector<256x256xf32>
      %mul3A_92 = arith.constant 1.000000e+30 : f32
      %mul3A_93 = vector.broadcast %mul3A_92 : f32 to vector<256x256xf32>
      %mul3A_94 = arith.mulf %sub3A_91, %mul3A_93 : vector<256x256xf32>
      %add3A_95 = arith.addf %add3A_75, %mul3A_94 : vector<256x256xf32>
      %convert_element_type3A_96 = arith.truncf %add3A_95 : vector<256x256xf32> to vector<256x256xbf16>
      %reshape3A_97 = vector.shape_cast %convert_element_type3A_96 : vector<256x256xbf16> to vector<32x8x256xbf16>
      %slice3A_98 = vector.extract_strided_slice %reshape3A_97 {offsets = [0, 0, 0], sizes = [32, 1, 256], strides = [1, 1, 1]} : vector<32x8x256xbf16> to vector<32x1x256xbf16>
      %squeeze3A = vector.shape_cast %slice3A_98 : vector<32x1x256xbf16> to vector<32x256xbf16>
      %mul3A_99 = arith.constant 32 : i32
      %mul3A_100 = arith.muli %arg0, %mul3A_99 : i32
      %swap3A_101 = arith.index_cast %mul3A_100 : i32 to index
      %swap3A_102 = arith.constant 0 : index
      %swap3A_103 = vector.load %arg20[%swap3A_101, %swap3A_102] : memref<512x2048xbf16, #tpu.memory_space<vmem>>, vector<32x256xbf16>
      tpu.vector_store %arg20[%swap3A_101, %swap3A_102], %squeeze3A {strides = array<i32>} : memref<512x2048xbf16, #tpu.memory_space<vmem>>, vector<32x256xbf16>,
      %slice3A_104 = vector.extract_strided_slice %reshape3A_97 {offsets = [0, 1, 0], sizes = [32, 1, 256], strides = [1, 1, 1]} : vector<32x8x256xbf16> to vector<32x1x256xbf16>
      %squeeze3A_105 = vector.shape_cast %slice3A_104 : vector<32x1x256xbf16> to vector<32x256xbf16>
      %mul3A_106 = arith.constant 32 : i32
      %mul3A_107 = arith.muli %arg0, %mul3A_106 : i32
      %swap3A_108 = arith.index_cast %mul3A_107 : i32 to index
      %swap3A_109 = arith.constant 256 : index
      %swap3A_110 = vector.load %arg20[%swap3A_108, %swap3A_109] : memref<512x2048xbf16, #tpu.memory_space<vmem>>, vector<32x256xbf16>
      tpu.vector_store %arg20[%swap3A_108, %swap3A_109], %squeeze3A_105 {strides = array<i32>} : memref<512x2048xbf16, #tpu.memory_space<vmem>>, vector<32x256xbf16>,
      %slice3A_111 = vector.extract_strided_slice %reshape3A_97 {offsets = [0, 2, 0], sizes = [32, 1, 256], strides = [1, 1, 1]} : vector<32x8x256xbf16> to vector<32x1x256xbf16>
      %squeeze3A_112 = vector.shape_cast %slice3A_111 : vector<32x1x256xbf16> to vector<32x256xbf16>
      %mul3A_113 = arith.constant 32 : i32
      %mul3A_114 = arith.muli %arg0, %mul3A_113 : i32
      %swap3A_115 = arith.index_cast %mul3A_114 : i32 to index
      %swap3A_116 = arith.constant 512 : index
      %swap3A_117 = vector.load %arg20[%swap3A_115, %swap3A_116] : memref<512x2048xbf16, #tpu.memory_space<vmem>>, vector<32x256xbf16>
      tpu.vector_store %arg20[%swap3A_115, %swap3A_116], %squeeze3A_112 {strides = array<i32>} : memref<512x2048xbf16, #tpu.memory_space<vmem>>, vector<32x256xbf16>,
      %slice3A_118 = vector.extract_strided_slice %reshape3A_97 {offsets = [0, 3, 0], sizes = [32, 1, 256], strides = [1, 1, 1]} : vector<32x8x256xbf16> to vector<32x1x256xbf16>
      %squeeze3A_119 = vector.shape_cast %slice3A_118 : vector<32x1x256xbf16> to vector<32x256xbf16>
      %mul3A_120 = arith.constant 32 : i32
      %mul3A_121 = arith.muli %arg0, %mul3A_120 : i32
      %swap3A_122 = arith.index_cast %mul3A_121 : i32 to index
      %swap3A_123 = arith.constant 768 : index
      %swap3A_124 = vector.load %arg20[%swap3A_122, %swap3A_123] : memref<512x2048xbf16, #tpu.memory_space<vmem>>, vector<32x256xbf16>
      tpu.vector_store %arg20[%swap3A_122, %swap3A_123], %squeeze3A_119 {strides = array<i32>} : memref<512x2048xbf16, #tpu.memory_space<vmem>>, vector<32x256xbf16>,
      %slice3A_125 = vector.extract_strided_slice %reshape3A_97 {offsets = [0, 4, 0], sizes = [32, 1, 256], strides = [1, 1, 1]} : vector<32x8x256xbf16> to vector<32x1x256xbf16>
      %squeeze3A_126 = vector.shape_cast %slice3A_125 : vector<32x1x256xbf16> to vector<32x256xbf16>
      %mul3A_127 = arith.constant 32 : i32
      %mul3A_128 = arith.muli %arg0, %mul3A_127 : i32
      %swap3A_129 = arith.index_cast %mul3A_128 : i32 to index
      %swap3A_130 = arith.constant 1024 : index
      %swap3A_131 = vector.load %arg20[%swap3A_129, %swap3A_130] : memref<512x2048xbf16, #tpu.memory_space<vmem>>, vector<32x256xbf16>
      tpu.vector_store %arg20[%swap3A_129, %swap3A_130], %squeeze3A_126 {strides = array<i32>} : memref<512x2048xbf16, #tpu.memory_space<vmem>>, vector<32x256xbf16>,
      %slice3A_132 = vector.extract_strided_slice %reshape3A_97 {offsets = [0, 5, 0], sizes = [32, 1, 256], strides = [1, 1, 1]} : vector<32x8x256xbf16> to vector<32x1x256xbf16>
      %squeeze3A_133 = vector.shape_cast %slice3A_132 : vector<32x1x256xbf16> to vector<32x256xbf16>
      %mul3A_134 = arith.constant 32 : i32
      %mul3A_135 = arith.muli %arg0, %mul3A_134 : i32
      %swap3A_136 = arith.index_cast %mul3A_135 : i32 to index
      %swap3A_137 = arith.constant 1280 : index
      %swap3A_138 = vector.load %arg20[%swap3A_136, %swap3A_137] : memref<512x2048xbf16, #tpu.memory_space<vmem>>, vector<32x256xbf16>
      tpu.vector_store %arg20[%swap3A_136, %swap3A_137], %squeeze3A_133 {strides = array<i32>} : memref<512x2048xbf16, #tpu.memory_space<vmem>>, vector<32x256xbf16>,
      %slice3A_139 = vector.extract_strided_slice %reshape3A_97 {offsets = [0, 6, 0], sizes = [32, 1, 256], strides = [1, 1, 1]} : vector<32x8x256xbf16> to vector<32x1x256xbf16>
      %squeeze3A_140 = vector.shape_cast %slice3A_139 : vector<32x1x256xbf16> to vector<32x256xbf16>
      %mul3A_141 = arith.constant 32 : i32
      %mul3A_142 = arith.muli %arg0, %mul3A_141 : i32
      %swap3A_143 = arith.index_cast %mul3A_142 : i32 to index
      %swap3A_144 = arith.constant 1536 : index
      %swap3A_145 = vector.load %arg20[%swap3A_143, %swap3A_144] : memref<512x2048xbf16, #tpu.memory_space<vmem>>, vector<32x256xbf16>
      tpu.vector_store %arg20[%swap3A_143, %swap3A_144], %squeeze3A_140 {strides = array<i32>} : memref<512x2048xbf16, #tpu.memory_space<vmem>>, vector<32x256xbf16>,
      %slice3A_146 = vector.extract_strided_slice %reshape3A_97 {offsets = [0, 7, 0], sizes = [32, 1, 256], strides = [1, 1, 1]} : vector<32x8x256xbf16> to vector<32x1x256xbf16>
      %squeeze3A_147 = vector.shape_cast %slice3A_146 : vector<32x1x256xbf16> to vector<32x256xbf16>
      %mul3A_148 = arith.constant 32 : i32
      %mul3A_149 = arith.muli %arg0, %mul3A_148 : i32
      %swap3A_150 = arith.index_cast %mul3A_149 : i32 to index
      %swap3A_151 = arith.constant 1792 : index
      %swap3A_152 = vector.load %arg20[%swap3A_150, %swap3A_151] : memref<512x2048xbf16, #tpu.memory_space<vmem>>, vector<32x256xbf16>
      tpu.vector_store %arg20[%swap3A_150, %swap3A_151], %squeeze3A_147 {strides = array<i32>} : memref<512x2048xbf16, #tpu.memory_space<vmem>>, vector<32x256xbf16>,
      %get3A_153 = arith.constant 0 : index
      %get3A_154 = arith.constant 0 : index
      %get3A_155 = vector.load %arg5[%get3A_153, %get3A_154] : memref<512x1xi32, #tpu.memory_space<vmem>>, vector<512x1xi32>
      %iota3A_156 = tpu.iota {dimensions = array<i32: 1>} : vector<512x256xi32>
      %eq3A_157 = vector.broadcast %get3A_155 : vector<512x1xi32> to vector<512x256xi32>
      %eq3A_158 = arith.cmpi eq, %eq3A_157, %iota3A_156 : vector<512x256xi32>
      %jit3A_159 = arith.constant 1.000000e+00 : f32
      %jit3A_160 = arith.constant 0.000000e+00 : f32
      %broadcast_in_dim3A_161 = vector.broadcast %jit3A_159 : f32 to vector<512x256xf32>
      %broadcast_in_dim3A_162 = vector.broadcast %jit3A_160 : f32 to vector<512x256xf32>
      %select_n3A_163 = arith.select %eq3A_158, %broadcast_in_dim3A_161, %broadcast_in_dim3A_162 : vector<512x256xi1>, vector<512x256xf32>
      %convert_element_type3A_164 = arith.truncf %select_n3A_163 : vector<512x256xf32> to vector<512x256xbf16>
      %mul3A_165 = arith.constant 2 : i32
      %mul3A_166 = arith.muli %arg0, %mul3A_165 : i32
      %mul3A_167 = arith.constant 256 : i32
      %mul3A_168 = arith.muli %mul3A_166, %mul3A_167 : i32
      %swap3A_169 = arith.index_cast %mul3A_168 : i32 to index
      %swap3A_170 = arith.constant 0 : index
      %swap3A_171 = vector.load %arg24[%swap3A_169, %swap3A_170] : memref<8192x256xbf16, #tpu.memory_space<vmem>>, vector<512x256xbf16>
      tpu.vector_store %arg24[%swap3A_169, %swap3A_170], %convert_element_type3A_164 {strides = array<i32>} : memref<8192x256xbf16, #tpu.memory_space<vmem>>, vector<512x256xbf16>,
    } else {
    }
    %ge3A = arith.constant 16 : i32
    %ge3A_2 = arith.cmpi sge, %arg0, %ge3A : i32
    %lt3A_3 = arith.constant 48 : i32
    %lt3A_4 = arith.cmpi slt, %arg0, %lt3A_3 : i32
    %and3A = arith.andi %ge3A_2, %lt3A_4 : i1
    %convert_element_type3A_5 = arith.extui %and3A : i1 to i32
    %cond3A_6 = arith.constant 0 : i32
    %cond3A_7 = arith.cmpi ne, %convert_element_type3A_5, %cond3A_6 : i32
    scf.if %cond3A_7 {
      %sub3A = arith.constant 16 : i32
      %sub3A_12 = arith.subi %arg0, %sub3A : i32
      %jit3A = arith.constant 16 : i32
      %div3A = arith.divsi %sub3A_12, %jit3A : i32
      %sign3A = arith.constant 0 : i32
      %sign3A_13 = arith.cmpi sgt, %sub3A_12, %sign3A : i32
      %sign3A_14 = arith.extui %sign3A_13 : i1 to i32
      %sign3A_15 = arith.constant 0 : i32
      %sign3A_16 = arith.cmpi slt, %sub3A_12, %sign3A_15 : i32
      %sign3A_17 = arith.extui %sign3A_16 : i1 to i32
      %sign3A_18 = arith.subi %sign3A_14, %sign3A_17 : i32
      %sign3A_19 = arith.constant 0 : i32
      %sign3A_20 = arith.cmpi sgt, %jit3A, %sign3A_19 : i32
      %sign3A_21 = arith.extui %sign3A_20 : i1 to i32
      %sign3A_22 = arith.constant 0 : i32
      %sign3A_23 = arith.cmpi slt, %jit3A, %sign3A_22 : i32
      %sign3A_24 = arith.extui %sign3A_23 : i1 to i32
      %sign3A_25 = arith.subi %sign3A_21, %sign3A_24 : i32
      %ne3A = arith.cmpi ne, %sign3A_18, %sign3A_25 : i32
      %rem3A = arith.remsi %sub3A_12, %jit3A : i32
      %ne3A_26 = arith.constant 0 : i32
      %ne3A_27 = arith.cmpi ne, %rem3A, %ne3A_26 : i32
      %and3A_28 = arith.andi %ne3A, %ne3A_27 : i1
      %sub3A_29 = arith.constant 1 : i32
      %sub3A_30 = arith.subi %div3A, %sub3A_29 : i32
      %select_n3A = arith.select %and3A_28, %sub3A_30, %div3A : i32
      %mul3A = arith.constant 256 : i32
      %mul3A_31 = arith.muli %sub3A_12, %mul3A : i32
      %get3A = arith.index_cast %mul3A_31 : i32 to index
      %get3A_32 = arith.constant 0 : index
      %get3A_33 = vector.load %arg24[%get3A, %get3A_32] : memref<8192x256xbf16, #tpu.memory_space<vmem>>, vector<256x256xbf16>
      %get3A_34 = arith.constant 0 : index
      %get3A_35 = arith.constant 0 : index
      %get3A_36 = vector.load %arg6[%get3A_34, %get3A_35] : memref<256x64xf32, #tpu.memory_space<vmem>>, vector<256x64xf32>
      %get3A_37 = arith.constant 0 : index
      %get3A_38 = arith.constant 0 : index
      %get3A_39 = vector.load %arg8[%get3A_37, %get3A_38] : memref<256x1xf32, #tpu.memory_space<vmem>>, vector<256x1xf32>
      %mul3A_40 = vector.broadcast %get3A_39 : vector<256x1xf32> to vector<256x64xf32>
      %mul3A_41 = arith.mulf %get3A_36, %mul3A_40 : vector<256x64xf32>
      %get3A_42 = arith.constant 0 : index
      %get3A_43 = arith.constant 0 : index
      %get3A_44 = vector.load %arg14[%get3A_42, %get3A_43] : memref<64x256xf32, #tpu.memory_space<vmem>>, vector<64x256xf32>
      %dot_general3A = arith.constant dense<0.000000e+00> : vector<256x256xf32>
      %dot_general3A_45 = tpu.matmul %mul3A_41, %get3A_44, %dot_general3A {dimension_numbers = #tpu.dot_dimension_numbers<[1], [0], [0], [1], [0, 0, 1, 1], [], []>, transpose_lhs_hint = false} : vector<256x64xf32>, vector<64x256xf32>, vector<256x256xf32> -> vector<256x256xf32>
      %get3A_46 = arith.constant 0 : index
      %get3A_47 = arith.constant 0 : index
      %get3A_48 = vector.load %arg7[%get3A_46, %get3A_47] : memref<256x64xf32, #tpu.memory_space<vmem>>, vector<256x64xf32>
      %get3A_49 = arith.constant 0 : index
      %get3A_50 = arith.constant 0 : index
      %get3A_51 = vector.load %arg15[%get3A_49, %get3A_50] : memref<64x256xf32, #tpu.memory_space<vmem>>, vector<64x256xf32>
      %dot_general3A_52 = arith.constant dense<0.000000e+00> : vector<256x256xf32>
      %dot_general3A_53 = tpu.matmul %get3A_48, %get3A_51, %dot_general3A_52 {dimension_numbers = #tpu.dot_dimension_numbers<[1], [0], [0], [1], [0, 0, 1, 1], [], []>, transpose_lhs_hint = false} : vector<256x64xf32>, vector<64x256xf32>, vector<256x256xf32> -> vector<256x256xf32>
      %add3A = arith.addf %dot_general3A_45, %dot_general3A_53 : vector<256x256xf32>
      %get3A_54 = arith.constant 0 : index
      %get3A_55 = arith.constant 0 : index
      %get3A_56 = vector.load %arg16[%get3A_54, %get3A_55] : memref<1x256xf32, #tpu.memory_space<vmem>>, vector<1x256xf32>
      %add3A_57 = vector.broadcast %get3A_56 : vector<1x256xf32> to vector<256x256xf32>
      %add3A_58 = arith.addf %add3A, %add3A_57 : vector<256x256xf32>
      %mul3A_59 = arith.constant 16 : i32
      %mul3A_60 = arith.muli %sub3A_12, %mul3A_59 : i32
      %get3A_61 = arith.index_cast %mul3A_60 : i32 to index
      %get3A_62 = arith.constant 0 : index
      %get3A_63 = vector.load %arg21[%get3A_61, %get3A_62] : memref<512x256xf32, #tpu.memory_space<vmem>>, vector<16x256xf32>
      %broadcast_in_dim3A = vector.shape_cast %get3A_63 : vector<16x256xf32> to vector<16x1x256xf32>
      %broadcast_in_dim3A_64 = vector.shape_cast %broadcast_in_dim3A : vector<16x1x256xf32> to vector<16x1x256xf32>
      %broadcast_in_dim3A_65 = vector.broadcast %broadcast_in_dim3A_64 : vector<16x1x256xf32> to vector<16x16x256xf32>
      %reshape3A = vector.shape_cast %broadcast_in_dim3A_65 : vector<16x16x256xf32> to vector<256x256xf32>
      %add3A_66 = arith.addf %add3A_58, %reshape3A : vector<256x256xf32>
      %broadcast_in_dim3A_67 = arith.constant 0.000000e+00 : f32
      %broadcast_in_dim3A_68 = vector.broadcast %broadcast_in_dim3A_67 : f32 to vector<256x128xf32>
      %mul3A_69 = arith.constant 256 : i32
      %mul3A_70 = arith.muli %select_n3A, %mul3A_69 : i32
      %get3A_71 = arith.index_cast %mul3A_70 : i32 to index
      %get3A_72 = arith.constant 0 : index
      %get3A_73 = vector.load %arg20[%get3A_71, %get3A_72] : memref<512x2048xbf16, #tpu.memory_space<vmem>>, vector<256x256xbf16>
      %dot_general3A_74 = arith.constant dense<0.000000e+00> : vector<256x256xf32>
      %dot_general3A_75 = tpu.matmul %get3A_33, %get3A_73, %dot_general3A_74 {dimension_numbers = #tpu.dot_dimension_numbers<[1], [0], [0], [1], [0, 0, 1, 1], [], []>, transpose_lhs_hint = false} : vector<256x256xbf16>, vector<256x256xbf16>, vector<256x256xf32> -> vector<256x256xf32>
      %add3A_76 = arith.addf %dot_general3A_75, %add3A_66 : vector<256x256xf32>
      %slice3A = vector.extract_strided_slice %add3A_76 {offsets = [0, 0], sizes = [256, 128], strides = [1, 1]} : vector<256x256xf32> to vector<256x128xf32>
      %logistic3A = arith.negf %slice3A : vector<256x128xf32>
      %logistic3A_77 = math.exp %logistic3A : vector<256x128xf32>
      %logistic3A_78 = arith.constant 1.000000e+00 : f32
      %logistic3A_79 = vector.broadcast %logistic3A_78 : f32 to vector<256x128xf32>
      %logistic3A_80 = arith.addf %logistic3A_79, %logistic3A_77 : vector<256x128xf32>
      %logistic3A_81 = arith.divf %logistic3A_79, %logistic3A_80 : vector<256x128xf32>
      %slice3A_82 = vector.extract_strided_slice %add3A_76 {offsets = [0, 128], sizes = [256, 128], strides = [1, 1]} : vector<256x256xf32> to vector<256x128xf32>
      %tanh3A = math.tanh %slice3A_82 : vector<256x128xf32>
      %mul3A_83 = arith.mulf %logistic3A_81, %tanh3A : vector<256x128xf32>
      %add3A_84 = arith.addf %broadcast_in_dim3A_68, %mul3A_83 : vector<256x128xf32>
      %mul3A_85 = arith.constant 256 : i32
      %mul3A_86 = arith.muli %select_n3A, %mul3A_85 : i32
      %get3A_87 = arith.index_cast %mul3A_86 : i32 to index
      %get3A_88 = arith.constant 256 : index
      %get3A_89 = vector.load %arg20[%get3A_87, %get3A_88] : memref<512x2048xbf16, #tpu.memory_space<vmem>>, vector<256x256xbf16>
      %dot_general3A_90 = arith.constant dense<0.000000e+00> : vector<256x256xf32>
      %dot_general3A_91 = tpu.matmul %get3A_33, %get3A_89, %dot_general3A_90 {dimension_numbers = #tpu.dot_dimension_numbers<[1], [0], [0], [1], [0, 0, 1, 1], [], []>, transpose_lhs_hint = false} : vector<256x256xbf16>, vector<256x256xbf16>, vector<256x256xf32> -> vector<256x256xf32>
      %add3A_92 = arith.addf %dot_general3A_91, %add3A_66 : vector<256x256xf32>
      %slice3A_93 = vector.extract_strided_slice %add3A_92 {offsets = [0, 0], sizes = [256, 128], strides = [1, 1]} : vector<256x256xf32> to vector<256x128xf32>
      %logistic3A_94 = arith.negf %slice3A_93 : vector<256x128xf32>
      %logistic3A_95 = math.exp %logistic3A_94 : vector<256x128xf32>
      %logistic3A_96 = arith.constant 1.000000e+00 : f32
      %logistic3A_97 = vector.broadcast %logistic3A_96 : f32 to vector<256x128xf32>
      %logistic3A_98 = arith.addf %logistic3A_97, %logistic3A_95 : vector<256x128xf32>
      %logistic3A_99 = arith.divf %logistic3A_97, %logistic3A_98 : vector<256x128xf32>
      %slice3A_100 = vector.extract_strided_slice %add3A_92 {offsets = [0, 128], sizes = [256, 128], strides = [1, 1]} : vector<256x256xf32> to vector<256x128xf32>
      %tanh3A_101 = math.tanh %slice3A_100 : vector<256x128xf32>
      %mul3A_102 = arith.mulf %logistic3A_99, %tanh3A_101 : vector<256x128xf32>
      %add3A_103 = arith.addf %add3A_84, %mul3A_102 : vector<256x128xf32>
      %mul3A_104 = arith.constant 256 : i32
      %mul3A_105 = arith.muli %select_n3A, %mul3A_104 : i32
      %get3A_106 = arith.index_cast %mul3A_105 : i32 to index
      %get3A_107 = arith.constant 512 : index
      %get3A_108 = vector.load %arg20[%get3A_106, %get3A_107] : memref<512x2048xbf16, #tpu.memory_space<vmem>>, vector<256x256xbf16>
      %dot_general3A_109 = arith.constant dense<0.000000e+00> : vector<256x256xf32>
      %dot_general3A_110 = tpu.matmul %get3A_33, %get3A_108, %dot_general3A_109 {dimension_numbers = #tpu.dot_dimension_numbers<[1], [0], [0], [1], [0, 0, 1, 1], [], []>, transpose_lhs_hint = false} : vector<256x256xbf16>, vector<256x256xbf16>, vector<256x256xf32> -> vector<256x256xf32>
      %add3A_111 = arith.addf %dot_general3A_110, %add3A_66 : vector<256x256xf32>
      %slice3A_112 = vector.extract_strided_slice %add3A_111 {offsets = [0, 0], sizes = [256, 128], strides = [1, 1]} : vector<256x256xf32> to vector<256x128xf32>
      %logistic3A_113 = arith.negf %slice3A_112 : vector<256x128xf32>
      %logistic3A_114 = math.exp %logistic3A_113 : vector<256x128xf32>
      %logistic3A_115 = arith.constant 1.000000e+00 : f32
      %logistic3A_116 = vector.broadcast %logistic3A_115 : f32 to vector<256x128xf32>
      %logistic3A_117 = arith.addf %logistic3A_116, %logistic3A_114 : vector<256x128xf32>
      %logistic3A_118 = arith.divf %logistic3A_116, %logistic3A_117 : vector<256x128xf32>
      %slice3A_119 = vector.extract_strided_slice %add3A_111 {offsets = [0, 128], sizes = [256, 128], strides = [1, 1]} : vector<256x256xf32> to vector<256x128xf32>
      %tanh3A_120 = math.tanh %slice3A_119 : vector<256x128xf32>
      %mul3A_121 = arith.mulf %logistic3A_118, %tanh3A_120 : vector<256x128xf32>
      %add3A_122 = arith.addf %add3A_103, %mul3A_121 : vector<256x128xf32>
      %mul3A_123 = arith.constant 256 : i32
      %mul3A_124 = arith.muli %select_n3A, %mul3A_123 : i32
      %get3A_125 = arith.index_cast %mul3A_124 : i32 to index
      %get3A_126 = arith.constant 768 : index
      %get3A_127 = vector.load %arg20[%get3A_125, %get3A_126] : memref<512x2048xbf16, #tpu.memory_space<vmem>>, vector<256x256xbf16>
      %dot_general3A_128 = arith.constant dense<0.000000e+00> : vector<256x256xf32>
      %dot_general3A_129 = tpu.matmul %get3A_33, %get3A_127, %dot_general3A_128 {dimension_numbers = #tpu.dot_dimension_numbers<[1], [0], [0], [1], [0, 0, 1, 1], [], []>, transpose_lhs_hint = false} : vector<256x256xbf16>, vector<256x256xbf16>, vector<256x256xf32> -> vector<256x256xf32>
      %add3A_130 = arith.addf %dot_general3A_129, %add3A_66 : vector<256x256xf32>
      %slice3A_131 = vector.extract_strided_slice %add3A_130 {offsets = [0, 0], sizes = [256, 128], strides = [1, 1]} : vector<256x256xf32> to vector<256x128xf32>
      %logistic3A_132 = arith.negf %slice3A_131 : vector<256x128xf32>
      %logistic3A_133 = math.exp %logistic3A_132 : vector<256x128xf32>
      %logistic3A_134 = arith.constant 1.000000e+00 : f32
      %logistic3A_135 = vector.broadcast %logistic3A_134 : f32 to vector<256x128xf32>
      %logistic3A_136 = arith.addf %logistic3A_135, %logistic3A_133 : vector<256x128xf32>
      %logistic3A_137 = arith.divf %logistic3A_135, %logistic3A_136 : vector<256x128xf32>
      %slice3A_138 = vector.extract_strided_slice %add3A_130 {offsets = [0, 128], sizes = [256, 128], strides = [1, 1]} : vector<256x256xf32> to vector<256x128xf32>
      %tanh3A_139 = math.tanh %slice3A_138 : vector<256x128xf32>
      %mul3A_140 = arith.mulf %logistic3A_137, %tanh3A_139 : vector<256x128xf32>
      %add3A_141 = arith.addf %add3A_122, %mul3A_140 : vector<256x128xf32>
      %mul3A_142 = arith.constant 256 : i32
      %mul3A_143 = arith.muli %select_n3A, %mul3A_142 : i32
      %get3A_144 = arith.index_cast %mul3A_143 : i32 to index
      %get3A_145 = arith.constant 1024 : index
      %get3A_146 = vector.load %arg20[%get3A_144, %get3A_145] : memref<512x2048xbf16, #tpu.memory_space<vmem>>, vector<256x256xbf16>
      %dot_general3A_147 = arith.constant dense<0.000000e+00> : vector<256x256xf32>
      %dot_general3A_148 = tpu.matmul %get3A_33, %get3A_146, %dot_general3A_147 {dimension_numbers = #tpu.dot_dimension_numbers<[1], [0], [0], [1], [0, 0, 1, 1], [], []>, transpose_lhs_hint = false} : vector<256x256xbf16>, vector<256x256xbf16>, vector<256x256xf32> -> vector<256x256xf32>
      %add3A_149 = arith.addf %dot_general3A_148, %add3A_66 : vector<256x256xf32>
      %slice3A_150 = vector.extract_strided_slice %add3A_149 {offsets = [0, 0], sizes = [256, 128], strides = [1, 1]} : vector<256x256xf32> to vector<256x128xf32>
      %logistic3A_151 = arith.negf %slice3A_150 : vector<256x128xf32>
      %logistic3A_152 = math.exp %logistic3A_151 : vector<256x128xf32>
      %logistic3A_153 = arith.constant 1.000000e+00 : f32
      %logistic3A_154 = vector.broadcast %logistic3A_153 : f32 to vector<256x128xf32>
      %logistic3A_155 = arith.addf %logistic3A_154, %logistic3A_152 : vector<256x128xf32>
      %logistic3A_156 = arith.divf %logistic3A_154, %logistic3A_155 : vector<256x128xf32>
      %slice3A_157 = vector.extract_strided_slice %add3A_149 {offsets = [0, 128], sizes = [256, 128], strides = [1, 1]} : vector<256x256xf32> to vector<256x128xf32>
      %tanh3A_158 = math.tanh %slice3A_157 : vector<256x128xf32>
      %mul3A_159 = arith.mulf %logistic3A_156, %tanh3A_158 : vector<256x128xf32>
      %add3A_160 = arith.addf %add3A_141, %mul3A_159 : vector<256x128xf32>
      %mul3A_161 = arith.constant 256 : i32
      %mul3A_162 = arith.muli %select_n3A, %mul3A_161 : i32
      %get3A_163 = arith.index_cast %mul3A_162 : i32 to index
      %get3A_164 = arith.constant 1280 : index
      %get3A_165 = vector.load %arg20[%get3A_163, %get3A_164] : memref<512x2048xbf16, #tpu.memory_space<vmem>>, vector<256x256xbf16>
      %dot_general3A_166 = arith.constant dense<0.000000e+00> : vector<256x256xf32>
      %dot_general3A_167 = tpu.matmul %get3A_33, %get3A_165, %dot_general3A_166 {dimension_numbers = #tpu.dot_dimension_numbers<[1], [0], [0], [1], [0, 0, 1, 1], [], []>, transpose_lhs_hint = false} : vector<256x256xbf16>, vector<256x256xbf16>, vector<256x256xf32> -> vector<256x256xf32>
      %add3A_168 = arith.addf %dot_general3A_167, %add3A_66 : vector<256x256xf32>
      %slice3A_169 = vector.extract_strided_slice %add3A_168 {offsets = [0, 0], sizes = [256, 128], strides = [1, 1]} : vector<256x256xf32> to vector<256x128xf32>
      %logistic3A_170 = arith.negf %slice3A_169 : vector<256x128xf32>
      %logistic3A_171 = math.exp %logistic3A_170 : vector<256x128xf32>
      %logistic3A_172 = arith.constant 1.000000e+00 : f32
      %logistic3A_173 = vector.broadcast %logistic3A_172 : f32 to vector<256x128xf32>
      %logistic3A_174 = arith.addf %logistic3A_173, %logistic3A_171 : vector<256x128xf32>
      %logistic3A_175 = arith.divf %logistic3A_173, %logistic3A_174 : vector<256x128xf32>
      %slice3A_176 = vector.extract_strided_slice %add3A_168 {offsets = [0, 128], sizes = [256, 128], strides = [1, 1]} : vector<256x256xf32> to vector<256x128xf32>
      %tanh3A_177 = math.tanh %slice3A_176 : vector<256x128xf32>
      %mul3A_178 = arith.mulf %logistic3A_175, %tanh3A_177 : vector<256x128xf32>
      %add3A_179 = arith.addf %add3A_160, %mul3A_178 : vector<256x128xf32>
      %mul3A_180 = arith.constant 256 : i32
      %mul3A_181 = arith.muli %select_n3A, %mul3A_180 : i32
      %get3A_182 = arith.index_cast %mul3A_181 : i32 to index
      %get3A_183 = arith.constant 1536 : index
      %get3A_184 = vector.load %arg20[%get3A_182, %get3A_183] : memref<512x2048xbf16, #tpu.memory_space<vmem>>, vector<256x256xbf16>
      %dot_general3A_185 = arith.constant dense<0.000000e+00> : vector<256x256xf32>
      %dot_general3A_186 = tpu.matmul %get3A_33, %get3A_184, %dot_general3A_185 {dimension_numbers = #tpu.dot_dimension_numbers<[1], [0], [0], [1], [0, 0, 1, 1], [], []>, transpose_lhs_hint = false} : vector<256x256xbf16>, vector<256x256xbf16>, vector<256x256xf32> -> vector<256x256xf32>
      %add3A_187 = arith.addf %dot_general3A_186, %add3A_66 : vector<256x256xf32>
      %slice3A_188 = vector.extract_strided_slice %add3A_187 {offsets = [0, 0], sizes = [256, 128], strides = [1, 1]} : vector<256x256xf32> to vector<256x128xf32>
      %logistic3A_189 = arith.negf %slice3A_188 : vector<256x128xf32>
      %logistic3A_190 = math.exp %logistic3A_189 : vector<256x128xf32>
      %logistic3A_191 = arith.constant 1.000000e+00 : f32
      %logistic3A_192 = vector.broadcast %logistic3A_191 : f32 to vector<256x128xf32>
      %logistic3A_193 = arith.addf %logistic3A_192, %logistic3A_190 : vector<256x128xf32>
      %logistic3A_194 = arith.divf %logistic3A_192, %logistic3A_193 : vector<256x128xf32>
      %slice3A_195 = vector.extract_strided_slice %add3A_187 {offsets = [0, 128], sizes = [256, 128], strides = [1, 1]} : vector<256x256xf32> to vector<256x128xf32>
      %tanh3A_196 = math.tanh %slice3A_195 : vector<256x128xf32>
      %mul3A_197 = arith.mulf %logistic3A_194, %tanh3A_196 : vector<256x128xf32>
      %add3A_198 = arith.addf %add3A_179, %mul3A_197 : vector<256x128xf32>
      %mul3A_199 = arith.constant 256 : i32
      %mul3A_200 = arith.muli %select_n3A, %mul3A_199 : i32
      %get3A_201 = arith.index_cast %mul3A_200 : i32 to index
      %get3A_202 = arith.constant 1792 : index
      %get3A_203 = vector.load %arg20[%get3A_201, %get3A_202] : memref<512x2048xbf16, #tpu.memory_space<vmem>>, vector<256x256xbf16>
      %dot_general3A_204 = arith.constant dense<0.000000e+00> : vector<256x256xf32>
      %dot_general3A_205 = tpu.matmul %get3A_33, %get3A_203, %dot_general3A_204 {dimension_numbers = #tpu.dot_dimension_numbers<[1], [0], [0], [1], [0, 0, 1, 1], [], []>, transpose_lhs_hint = false} : vector<256x256xbf16>, vector<256x256xbf16>, vector<256x256xf32> -> vector<256x256xf32>
      %add3A_206 = arith.addf %dot_general3A_205, %add3A_66 : vector<256x256xf32>
      %slice3A_207 = vector.extract_strided_slice %add3A_206 {offsets = [0, 0], sizes = [256, 128], strides = [1, 1]} : vector<256x256xf32> to vector<256x128xf32>
      %logistic3A_208 = arith.negf %slice3A_207 : vector<256x128xf32>
      %logistic3A_209 = math.exp %logistic3A_208 : vector<256x128xf32>
      %logistic3A_210 = arith.constant 1.000000e+00 : f32
      %logistic3A_211 = vector.broadcast %logistic3A_210 : f32 to vector<256x128xf32>
      %logistic3A_212 = arith.addf %logistic3A_211, %logistic3A_209 : vector<256x128xf32>
      %logistic3A_213 = arith.divf %logistic3A_211, %logistic3A_212 : vector<256x128xf32>
      %slice3A_214 = vector.extract_strided_slice %add3A_206 {offsets = [0, 128], sizes = [256, 128], strides = [1, 1]} : vector<256x256xf32> to vector<256x128xf32>
      %tanh3A_215 = math.tanh %slice3A_214 : vector<256x128xf32>
      %mul3A_216 = arith.mulf %logistic3A_213, %tanh3A_215 : vector<256x128xf32>
      %add3A_217 = arith.addf %add3A_198, %mul3A_216 : vector<256x128xf32>
      %slice3A_218 = vector.extract_strided_slice %add3A_217 {offsets = [0, 0], sizes = [256, 64], strides = [1, 1]} : vector<256x128xf32> to vector<256x64xf32>
      %slice3A_219 = vector.extract_strided_slice %add3A_217 {offsets = [0, 64], sizes = [256, 64], strides = [1, 1]} : vector<256x128xf32> to vector<256x64xf32>
      %add3A_220 = arith.addf %slice3A_218, %slice3A_219 : vector<256x64xf32>
      %mul3A_221 = arith.constant 256 : i32
      %mul3A_222 = arith.muli %sub3A_12, %mul3A_221 : i32
      %swap3A = arith.index_cast %mul3A_222 : i32 to index
      %swap3A_223 = arith.constant 0 : index
      %swap3A_224 = vector.load %arg23[%swap3A, %swap3A_223] : memref<8192x64xf32, #tpu.memory_space<vmem>>, vector<256x64xf32>
      tpu.vector_store %arg23[%swap3A, %swap3A_223], %add3A_220 {strides = array<i32>} : memref<8192x64xf32, #tpu.memory_space<vmem>>, vector<256x64xf32>,
    } else {
    }
    %eq3A = arith.constant 48 : i32
    %eq3A_8 = arith.cmpi eq, %arg0, %eq3A : i32
    %convert_element_type3A_9 = arith.extui %eq3A_8 : i1 to i32
    %cond3A_10 = arith.constant 0 : i32
    %cond3A_11 = arith.cmpi ne, %convert_element_type3A_9, %cond3A_10 : i32
    scf.if %cond3A_11 {
      %get3A = arith.constant 0 : index
      %get3A_12 = arith.constant 0 : index
      %get3A_13 = vector.load %arg23[%get3A, %get3A_12] : memref<8192x64xf32, #tpu.memory_space<vmem>>, vector<8192x64xf32>
      %reshape3A = vector.shape_cast %get3A_13 : vector<8192x64xf32> to vector<4096x2x64xf32>
      %slice3A = vector.extract_strided_slice %reshape3A {offsets = [0, 0, 0], sizes = [4096, 1, 64], strides = [1, 1, 1]} : vector<4096x2x64xf32> to vector<4096x1x64xf32>
      %squeeze3A = vector.shape_cast %slice3A : vector<4096x1x64xf32> to vector<4096x64xf32>
      %slice3A_14 = vector.extract_strided_slice %reshape3A {offsets = [0, 1, 0], sizes = [4096, 1, 64], strides = [1, 1, 1]} : vector<4096x2x64xf32> to vector<4096x1x64xf32>
      %squeeze3A_15 = vector.shape_cast %slice3A_14 : vector<4096x1x64xf32> to vector<4096x64xf32>
      %concatenate3A = tpu.concatenate %squeeze3A, %squeeze3A_15 in 1 : vector<4096x64xf32>, vector<4096x64xf32> -> vector<4096x128xf32>
      %reduce_sum3A = arith.constant dense<0.000000e+00> : vector<128xf32>
      %reduce_sum3A_16 = vector.multi_reduction <add>, %concatenate3A, %reduce_sum3A [0] : vector<4096x128xf32> to vector<128xf32>
      %broadcast_in_dim3A = vector.shape_cast %reduce_sum3A_16 : vector<128xf32> to vector<1x128xf32>
      %div3A = arith.constant 4.096000e+03 : f32
      %div3A_17 = vector.broadcast %div3A : f32 to vector<1x128xf32>
      %div3A_18 = arith.divf %broadcast_in_dim3A, %div3A_17 : vector<1x128xf32>
      %slice3A_19 = vector.extract_strided_slice %div3A_18 {offsets = [0, 0], sizes = [1, 64], strides = [1, 1]} : vector<1x128xf32> to vector<1x64xf32>
      %slice3A_20 = vector.extract_strided_slice %div3A_18 {offsets = [0, 64], sizes = [1, 64], strides = [1, 1]} : vector<1x128xf32> to vector<1x64xf32>
      %add3A = arith.addf %slice3A_19, %slice3A_20 : vector<1x64xf32>
      %mul3A = arith.constant 5.000000e-01 : f32
      %mul3A_21 = vector.broadcast %mul3A : f32 to vector<1x64xf32>
      %mul3A_22 = arith.mulf %mul3A_21, %add3A : vector<1x64xf32>
      %concatenate3A_23 = tpu.concatenate %mul3A_22, %mul3A_22 in 1 : vector<1x64xf32>, vector<1x64xf32> -> vector<1x128xf32>
      %sub3A = vector.broadcast %concatenate3A_23 : vector<1x128xf32> to vector<4096x128xf32>
      %sub3A_24 = arith.subf %concatenate3A, %sub3A : vector<4096x128xf32>
      %mul3A_25 = arith.mulf %sub3A_24, %sub3A_24 : vector<4096x128xf32>
      %reduce_sum3A_26 = arith.constant dense<0.000000e+00> : vector<128xf32>
      %reduce_sum3A_27 = vector.multi_reduction <add>, %mul3A_25, %reduce_sum3A_26 [0] : vector<4096x128xf32> to vector<128xf32>
      %broadcast_in_dim3A_28 = vector.shape_cast %reduce_sum3A_27 : vector<128xf32> to vector<1x128xf32>
      %div3A_29 = arith.constant 4.096000e+03 : f32
      %div3A_30 = vector.broadcast %div3A_29 : f32 to vector<1x128xf32>
      %div3A_31 = arith.divf %broadcast_in_dim3A_28, %div3A_30 : vector<1x128xf32>
      %slice3A_32 = vector.extract_strided_slice %div3A_31 {offsets = [0, 0], sizes = [1, 64], strides = [1, 1]} : vector<1x128xf32> to vector<1x64xf32>
      %slice3A_33 = vector.extract_strided_slice %div3A_31 {offsets = [0, 64], sizes = [1, 64], strides = [1, 1]} : vector<1x128xf32> to vector<1x64xf32>
      %add3A_34 = arith.addf %slice3A_32, %slice3A_33 : vector<1x64xf32>
      %mul3A_35 = arith.constant 5.000000e-01 : f32
      %mul3A_36 = vector.broadcast %mul3A_35 : f32 to vector<1x64xf32>
      %mul3A_37 = arith.mulf %mul3A_36, %add3A_34 : vector<1x64xf32>
      %concatenate3A_38 = tpu.concatenate %mul3A_37, %mul3A_37 in 1 : vector<1x64xf32>, vector<1x64xf32> -> vector<1x128xf32>
      %add3A_39 = arith.constant 9.99999974E-6 : f32
      %add3A_40 = vector.broadcast %add3A_39 : f32 to vector<1x128xf32>
      %add3A_41 = arith.addf %concatenate3A_38, %add3A_40 : vector<1x128xf32>
      %rsqrt3A = math.rsqrt %add3A_41 : vector<1x128xf32>
      %mul3A_42 = vector.broadcast %rsqrt3A : vector<1x128xf32> to vector<4096x128xf32>
      %mul3A_43 = arith.mulf %sub3A_24, %mul3A_42 : vector<4096x128xf32>
      %get3A_44 = arith.constant 0 : index
      %get3A_45 = arith.constant 0 : index
      %get3A_46 = vector.load %arg17[%get3A_44, %get3A_45] : memref<1x128xf32, #tpu.memory_space<vmem>>, vector<1x128xf32>
      %mul3A_47 = vector.broadcast %get3A_46 : vector<1x128xf32> to vector<4096x128xf32>
      %mul3A_48 = arith.mulf %mul3A_43, %mul3A_47 : vector<4096x128xf32>
      %get3A_49 = arith.constant 0 : index
      %get3A_50 = arith.constant 0 : index
      %get3A_51 = vector.load %arg18[%get3A_49, %get3A_50] : memref<1x128xf32, #tpu.memory_space<vmem>>, vector<1x128xf32>
      %add3A_52 = vector.broadcast %get3A_51 : vector<1x128xf32> to vector<4096x128xf32>
      %add3A_53 = arith.addf %mul3A_48, %add3A_52 : vector<4096x128xf32>
      %get3A_54 = arith.constant 0 : index
      %get3A_55 = arith.constant 0 : index
      %get3A_56 = vector.load %arg22[%get3A_54, %get3A_55] : memref<4096x128xf32, #tpu.memory_space<vmem>>, vector<4096x128xf32>
      %add3A_57 = arith.addf %get3A_56, %add3A_53 : vector<4096x128xf32>
      %tanh3A = math.tanh %add3A_57 : vector<4096x128xf32>
      %swap3A = arith.constant 0 : index
      %swap3A_58 = arith.constant 0 : index
      %swap3A_59 = vector.load %arg19[%swap3A, %swap3A_58] : memref<4096x128xf32, #tpu.memory_space<vmem>>, vector<4096x128xf32>
      tpu.vector_store %arg19[%swap3A, %swap3A_58], %tanh3A {strides = array<i32>} : memref<4096x128xf32, #tpu.memory_space<vmem>>, vector<4096x128xf32>,
    } else {
    }
    return
  }
  func.func @transform_0(%arg0: i32) -> (i32, i32) {
    %min3A = arith.constant 15 : i32
    %min3A_0 = arith.minsi %arg0, %min3A : i32
    %c0_i32 = arith.constant 0 : i32
    %c0_i32_1 = arith.constant 0 : i32
    return %min3A_0, %c0_i32 : i32, i32
  }
  func.func @transform_1(%arg0: i32) -> (i32, i32) {
    %min3A = arith.constant 15 : i32
    %min3A_0 = arith.minsi %arg0, %min3A : i32
    %c0_i32 = arith.constant 0 : i32
    %c0_i32_1 = arith.constant 0 : i32
    return %min3A_0, %c0_i32 : i32, i32
  }
  func.func @transform_2(%arg0: i32) -> (i32, i32) {
    %min3A = arith.constant 15 : i32
    %min3A_0 = arith.minsi %arg0, %min3A : i32
    %c0_i32 = arith.constant 0 : i32
    %c0_i32_1 = arith.constant 0 : i32
    return %min3A_0, %c0_i32 : i32, i32
  }
  func.func @transform_3(%arg0: i32) -> (i32, i32) {
    %min3A = arith.constant 15 : i32
    %min3A_0 = arith.minsi %arg0, %min3A : i32
    %c0_i32 = arith.constant 0 : i32
    %c0_i32_1 = arith.constant 0 : i32
    return %min3A_0, %c0_i32 : i32, i32
  }
  func.func @transform_4(%arg0: i32) -> (i32, i32) {
    %min3A = arith.constant 15 : i32
    %min3A_0 = arith.minsi %arg0, %min3A : i32
    %c0_i32 = arith.constant 0 : i32
    %c0_i32_1 = arith.constant 0 : i32
    return %min3A_0, %c0_i32 : i32, i32
  }
  func.func @transform_5(%arg0: i32) -> (i32, i32) {
    %sub3A = arith.constant 16 : i32
    %sub3A_0 = arith.subi %arg0, %sub3A : i32
    %jit3A = arith.constant 0 : i32
    %jit3A_1 = arith.constant 31 : i32
    %max3A = arith.maxsi %jit3A, %sub3A_0 : i32
    %min3A = arith.minsi %jit3A_1, %max3A : i32
    %c0_i32 = arith.constant 0 : i32
    %c0_i32_2 = arith.constant 0 : i32
    return %min3A, %c0_i32 : i32, i32
  }
  func.func @transform_6(%arg0: i32) -> (i32, i32) {
    %sub3A = arith.constant 16 : i32
    %sub3A_0 = arith.subi %arg0, %sub3A : i32
    %jit3A = arith.constant 0 : i32
    %jit3A_1 = arith.constant 31 : i32
    %max3A = arith.maxsi %jit3A, %sub3A_0 : i32
    %min3A = arith.minsi %jit3A_1, %max3A : i32
    %c0_i32 = arith.constant 0 : i32
    %c0_i32_2 = arith.constant 0 : i32
    return %min3A, %c0_i32 : i32, i32
  }
  func.func @transform_7(%arg0: i32) -> (i32, i32) {
    %sub3A = arith.constant 16 : i32
    %sub3A_0 = arith.subi %arg0, %sub3A : i32
    %jit3A = arith.constant 0 : i32
    %jit3A_1 = arith.constant 31 : i32
    %max3A = arith.maxsi %jit3A, %sub3A_0 : i32
    %min3A = arith.minsi %jit3A_1, %max3A : i32
    %c0_i32 = arith.constant 0 : i32
    %c0_i32_2 = arith.constant 0 : i32
    return %min3A, %c0_i32 : i32, i32
  }
  func.func @transform_8(%arg0: i32) -> (i32, i32) {
    %c0_i32 = arith.constant 0 : i32
    %c0_i32_0 = arith.constant 0 : i32
    %c0_i32_1 = arith.constant 0 : i32
    return %c0_i32, %c0_i32_0 : i32, i32
  }
  func.func @transform_9(%arg0: i32) -> (i32, i32) {
    %c0_i32 = arith.constant 0 : i32
    %c0_i32_0 = arith.constant 0 : i32
    %c0_i32_1 = arith.constant 0 : i32
    return %c0_i32, %c0_i32_0 : i32, i32
  }
  func.func @transform_10(%arg0: i32) -> (i32, i32) {
    %c0_i32 = arith.constant 0 : i32
    %c0_i32_0 = arith.constant 0 : i32
    %c0_i32_1 = arith.constant 0 : i32
    return %c0_i32, %c0_i32_0 : i32, i32
  }
  func.func @transform_11(%arg0: i32) -> (i32, i32) {
    %c0_i32 = arith.constant 0 : i32
    %c0_i32_0 = arith.constant 0 : i32
    %c0_i32_1 = arith.constant 0 : i32
    return %c0_i32, %c0_i32_0 : i32, i32
  }
  func.func @transform_12(%arg0: i32) -> (i32, i32) {
    %c0_i32 = arith.constant 0 : i32
    %c0_i32_0 = arith.constant 0 : i32
    %c0_i32_1 = arith.constant 0 : i32
    return %c0_i32, %c0_i32_0 : i32, i32
  }
  func.func @transform_13(%arg0: i32) -> (i32, i32) {
    %c0_i32 = arith.constant 0 : i32
    %c0_i32_0 = arith.constant 0 : i32
    %c0_i32_1 = arith.constant 0 : i32
    return %c0_i32, %c0_i32_0 : i32, i32
  }
  func.func @transform_14(%arg0: i32) -> (i32, i32) {
    %c0_i32 = arith.constant 0 : i32
    %c0_i32_0 = arith.constant 0 : i32
    %c0_i32_1 = arith.constant 0 : i32
    return %c0_i32, %c0_i32_0 : i32, i32
  }
  func.func @transform_15(%arg0: i32) -> (i32, i32) {
    %c0_i32 = arith.constant 0 : i32
    %c0_i32_0 = arith.constant 0 : i32
    %c0_i32_1 = arith.constant 0 : i32
    return %c0_i32, %c0_i32_0 : i32, i32
  }
  func.func @transform_16(%arg0: i32) -> (i32, i32) {
    %c0_i32 = arith.constant 0 : i32
    %c0_i32_0 = arith.constant 0 : i32
    %c0_i32_1 = arith.constant 0 : i32
    return %c0_i32, %c0_i32_0 : i32, i32
  }
  func.func @transform_17(%arg0: i32) -> (i32, i32) {
    %c0_i32 = arith.constant 0 : i32
    %c0_i32_0 = arith.constant 0 : i32
    %c0_i32_1 = arith.constant 0 : i32
    return %c0_i32, %c0_i32_0 : i32, i32
  }
  func.func @transform_18(%arg0: i32) -> (i32, i32) {
    %c0_i32 = arith.constant 0 : i32
    %c0_i32_0 = arith.constant 0 : i32
    %c0_i32_1 = arith.constant 0 : i32
    return %c0_i32, %c0_i32_0 : i32, i32
  }
}

</mosaic_0001>

<sc_bundles>
// kernel: kernel.4.cloned.1.call-start
scs
__scs_entry_jumppad:
0x0: {  	(pc) =	sbr.rel $0x88, $3  }
0x1: {  	(tag) =	ssettag $0x0;
	lr =	simm.s32 $0x1  }
0x2: {  	[smem:$0x3F97] =	sst lr;
	_ =	strace $0xD0000000  }
0x3: {  	_ = 	snop  }
0x4: {  	_ = 	snop  }
0x5: {  	_ = 	snop  }
0x6: {  	_ = 	snop  }
0x7: {  	_ = 	snop  }
__scs_overlays_trampoline_lowered:
0x8: {  	[smem:$0x3FA6] =	sst s0  }
0x9: {  	[smem:$0x3FA7] =	sst s1  }
0xa: {  	[smem:$0x3FA8] =	sst s2  }
0xb: {  	[smem:$0x3FA9] =	sst s3  }
0xc: {  	[smem:$0x3FAA] =	sst s4  }
0xd: {  	[smem:$0x3FAB] =	sst s5  }
0xe: {  	[smem:$0x3FAC] =	sst s6  }
0xf: {  	[smem:$0x3FAD] =	sst s7  }
0x10: {  	[smem:$0x3FAE] =	sst s8  }
0x11: {  	[smem:$0x3FAF] =	sst s9;
	s0 =	simm.s32 @!p0 $0x0  }
0x12: {  	s1 =	sld [smem:$0x3F95];
	s0 =	simm.s32 @p0 $0x1  }
0x13: {  	[smem:$0x3FB0] =	sst s0;
	s0 =	simm.s32 @!p1 $0x0  }
0x14: {  	s2 =	sld [smem:$0x3F94];
	s0 =	simm.s32 @p1 $0x1  }
0x15: {  	[smem:$0x3FB1] =	sst s0;
	s0 =	simm.s32 @!p2 $0x0  }
0x16: {  	s3 =	sld [smem:$0x3FDB];
	s0 =	simm.s32 @p2 $0x1  }
0x17: {  	s4 =	simm.s32 $0x1BF5;
	[smem:$0x3FB3] =	sst s0  }
0x18: {  	s0 =	sld [smem:$0x3F96];
	_ =	swait.ge [sflag:s4], $0x0  }
0x19: {  	s7 =	sld [smem:$0x3F97]  }
0x1a: {  	s8 =	sadd.s32 $0xFFFFE003, lr  }
0x1b: {  	s9 =	sadd.s32 $0xFFFFFEF7, lr;
	s5 =	simm.s32 $0xFFFFFFFF;
	p2 =	slt.u32 s8, $0xFFFFF086  }
0x1c: {  	p1 =	slt.u32 s9, $0xF7A;
	s5 =	simm.s32 @!p2 $0x0  }
0x1d: {  	s5 =	simm.s32 @p1 $0x1;
	p0 =	seq.s32 s7, s2  }
0x1e: {  	s7 =	smul.u32 @!p0 $0xF7A, s2;
	p2 =	seq.s32 @!p0 s5, $0x0  }
0x1f: {  	s9 =	smul.u32 $0xF7A, s1;
	s8 =	simm.s32 @!p0 $0x1BF5;
	p2 =	por !p2, p0  }
0x20: {  	[sflag:s8] =	ssyncset.s32 @!p0 $0xFFFFF086;
	s6 =	sadd.s32 @!p0 s3, s7;
	s7 =	simm.s32 @!p0 $0x108  }
0x21: {  	s3 =	sadd.s32 s3, s9;
	s6 =	sadd.s32 @!p0 $0x88, s6;
	s7 =	simm.s32 @p2 $0x1082  }
0x22: {  	[simem:s7], [sflag:s8] =	dma.local @!p0 [hbm:s6], $0xF7A  }
0x23: {  	s9 =	sor.u32 $0xD0000000, s2;
	s6 =	simm.s32 $0x108;
	_ =	swait.ge @!p0 [sflag:s8], $0x0  }
0x24: {  	s3 =	sadd.s32 $0x88, s3;
	s6 =	simm.s32 @!p1 $0x1082;
	[sflag:s4] =	ssyncset.s32 $0xFFFFF086  }
0x25: {  	[simem:s6], [sflag:s4] =	dma.local [hbm:s3], $0xF7A  }
0x26: {  	[smem:$0x3F97] =	sst s1;
	(tag) =	ssettag s2;
	_ =	strace s9  }
0x27: {  	s1 =	sld [smem:$0x3FA7]  }
0x28: {  	s2 =	sld [smem:$0x3FA8]  }
0x29: {  	s4 =	sld [smem:$0x3FAA]  }
0x2a: {  	p0 =	seq.s32 s5, $0x0;
	s5 =	sld [smem:$0x3FAB]  }
0x2b: {  	s6 =	sld [smem:$0x3FAC]  }
0x2c: {  	s7 =	sld [smem:$0x3FAD]  }
0x2d: {  	s3 =	simm.s32 $0x108;
	s8 =	sld [smem:$0x3FAE]  }
0x2e: {  	s3 =	simm.s32 @!p0 $0x1082;
	s9 =	sld [smem:$0x3FAF]  }
0x2f: {  	lr =	sadd.s32 s0, s3;
	s0 =	sld [smem:$0x3FA6]  }
0x30: {  	s3 =	sld [smem:$0x3FA9]  }
0x31: {  	[smem:$0x3FB2] =	sst s10  }
0x32: {  	s10 =	sld [smem:$0x3FB0];
	_ =	sdelay $0x3  }
0x33: {  	p0 =	seq.s32 s10, $0x1;
	s10 =	sld [smem:$0x3FB2];
	_ =	sdelay $0x3  }
0x34: {  	[smem:$0x3FB2] =	sst s10  }
0x35: {  	s10 =	sld [smem:$0x3FB1];
	_ =	sdelay $0x3  }
0x36: {  	p1 =	seq.s32 s10, $0x1;
	s10 =	sld [smem:$0x3FB2];
	_ =	sdelay $0x3  }
0x37: {  	[smem:$0x3FB2] =	sst s10  }
0x38: {  	s10 =	sld [smem:$0x3FB3]  }
0x39: {  	_ = 	snop;
	(pc) =	sbr.ind lr, $3  }
0x3a: {  	_ = 	snop  }
0x3b: {  	_ = 	snop  }
0x3c: {  	p2 =	seq.s32 s10, $0x1;
	s10 =	sld [smem:$0x3FB2]  }
0x3d: {  	_ =	shalt  }
0x3e: {  	_ =	shalt  }
0x3f: {  	_ =	shalt  }
0x40: {  	_ =	shalt  }
0x41: {  	_ =	shalt  }
0x42: {  	_ =	shalt  }
0x43: {  	_ =	shalt  }
0x44: {  	_ =	shalt  }
0x45: {  	_ =	shalt  }
0x46: {  	_ =	shalt  }
0x47: {  	_ =	shalt  }
0x48: {  	_ =	shalt  }
0x49: {  	_ =	shalt  }
0x4a: {  	_ =	shalt  }
0x4b: {  	_ =	shalt  }
0x4c: {  	_ =	shalt  }
0x4d: {  	_ =	shalt  }
0x4e: {  	_ =	shalt  }
0x4f: {  	_ =	shalt  }
0x50: {  	_ =	shalt  }
0x51: {  	_ =	shalt  }
0x52: {  	_ =	shalt  }
0x53: {  	_ =	shalt  }
0x54: {  	_ =	shalt  }
0x55: {  	_ =	shalt  }
0x56: {  	_ =	shalt  }
0x57: {  	_ =	shalt  }
0x58: {  	_ =	shalt  }
0x59: {  	_ =	shalt  }
0x5a: {  	_ =	shalt  }
0x5b: {  	_ =	shalt  }
0x5c: {  	_ =	shalt  }
0x5d: {  	_ =	shalt  }
0x5e: {  	_ =	shalt  }
0x5f: {  	_ =	shalt  }
0x60: {  	_ =	shalt  }
0x61: {  	_ =	shalt  }
0x62: {  	_ =	shalt  }
0x63: {  	_ =	shalt  }
0x64: {  	_ =	shalt  }
0x65: {  	_ =	shalt  }
0x66: {  	_ =	shalt  }
0x67: {  	_ =	shalt  }
0x68: {  	_ =	shalt  }
0x69: {  	_ =	shalt  }
0x6a: {  	_ =	shalt  }
0x6b: {  	_ =	shalt  }
0x6c: {  	_ =	shalt  }
0x6d: {  	_ =	shalt  }
0x6e: {  	_ =	shalt  }
0x6f: {  	_ =	shalt  }
0x70: {  	_ =	shalt  }
0x71: {  	_ =	shalt  }
0x72: {  	_ =	shalt  }
0x73: {  	_ =	shalt  }
0x74: {  	_ =	shalt  }
0x75: {  	_ =	shalt  }
0x76: {  	_ =	shalt  }
0x77: {  	_ =	shalt  }
0x78: {  	_ =	shalt  }
0x79: {  	_ =	shalt  }
0x7a: {  	_ =	shalt  }
0x7b: {  	_ =	shalt  }
0x7c: {  	_ =	shalt  }
0x7d: {  	_ =	shalt  }
0x7e: {  	_ =	shalt  }
0x7f: {  	_ =	shalt  }
0x80: {  	_ =	shalt  }
0x81: {  	_ =	shalt  }
0x82: {  	_ =	shalt  }
0x83: {  	_ =	shalt  }
0x84: {  	_ =	shalt  }
0x85: {  	_ =	shalt  }
0x86: {  	_ =	shalt  }
0x87: {  	_ =	shalt  }
.Lfunc_end0:
.L_simem_size_0:
called_computation_lowered:
.L_overlay_start_0:
0x88: {  	s2 =	sld [smem:$0x3FD9]  }
0x89: {  	s3 =	sld [smem:$0x3FFE];
	_ =	sdelay $0x1  }
0x8a: {  	s1 =	srdreg.scid  }
0x8b: {  	s0 =	sand.u32 $0x1, s1  }
0x8c: {  	s17 =	sshll.u32 s0, $0xA;
	s2 =	sadd.s32 s3, s2  }
0x8d: {  	s2 =	sadd.s32 s2, s17  }
0x8e: {  	[smem:$0x3FBE] =	sst s2  }
0x8f: {  	_ = 	snop  }
0x90: {  	s2 =	sld [smem:$0x3FD0];
	(tm) =	ssettm $0x1  }
0x91: {  	s18 =	sld [smem:$0x3FFB];
	_ =	sdelay $0x3  }
0x92: {  	_ =	strace s18  }
0x93: {  	s3 =	sld [smem:$0x3FFC];
	_ =	sdelay $0x3  }
0x94: {  	_ =	strace s3  }
0x95: {  	s3 =	sld [smem:$0x3FFD];
	_ =	sdelay $0x3  }
0x96: {  	_ =	strace s3  }
0x97: {  	_ =	strace $0x8FFFFFFF  }
0x98: {  	s19 =	sld [smem:$0x3FDB];
	_ =	sdelay $0x1  }
0x99: {  	s4 =	simm.s32 $_scs_section_size  }
0x9a: {  	s5 =	simm.s32 $_size__tile_overlayer_lowered;
	s6 =	simm.s32 $_tile_overlayer_lowered  }
0x9b: {  	s22 =	simm.s32 $0x1BFF;
	s21 =	sshll.u32 s6, $0x1;
	s3 =	sadd.s32 s4, s19  }
0x9c: {  	s7 =	simm.s32 $0x0;
	s20 =	sshll.u32 s5, $0x1;
	s5 =	sadd.s32 s21, s3  }
0x9d: {  	[timem:s7], [sflag:s22] =	dma.local [hbm:s5], s20  }
0x9e: {  	_ =	swait.ge [sflag:s22], s20  }
0x9f: {  	s4 =	ssub.s32 $0x0, s20;
	[sflag:s22] =	ssyncset.done $0x0  }
0xa0: {  	[sflag:s22] =	ssyncadd.s32 s4;
	_ =	sdelay $0x1  }
0xa1: {  	s23 =	simm.s32 $0x1B8B  }
0xa2: {  	_ =	swait.ge [sflag:s23], $0x1  }
0xa3: {  	[sflag:s23] =	ssyncset.done $0x0  }
0xa4: {  	s25 =	simm.s32 $0x1B8E;
	s24 =	sld [smem:$0x3FFE];
	[sflag:s23] =	ssyncadd.s32 $0xFFFFFFFF  }
0xa5: {  	s26 =	simm.s32 $execute0_lowered;
	[smem:$0x3FD2] =	sst s25  }
0xa6: {  	s5 =	sshll.u32 s26, $0x1;
	_ =	strace $0x80000046;
	[dreg:$0x1] =	wrdreg $0xFFFFFFFF  }
0xa7: {  	s28 =	simm.s32 $_size_execute0_lowered;
	s3 =	sadd.s32 s3, s5;
	[dreg:$0x0] =	wrdreg $0x0  }
0xa8: {  	s5 =	sshll.u32 s28, $0x1;
	[dreg:$0x2] =	wrdreg s3  }
0xa9: {  	[dreg:$0x3] =	wrdreg s5  }
0xaa: {  	[dreg:$0x4] =	wrdreg $0xC0  }
0xab: {  	_ =	task [dreg:s7], $0x5FFFF  }
0xac: {  	[dreg:$0x1] =	wrdreg $0xFFFFFFFF  }
0xad: {  	[dreg:$0x0] =	wrdreg $0x60  }
0xae: {  	[dreg:$0x2] =	wrdreg s24  }
0xaf: {  	[dreg:$0x3] =	wrdreg s2  }
0xb0: {  	[dreg:$0x4] =	wrdreg $0x9  }
0xb1: {  	_ =	task.clear_ibuf [dreg:s7], $0x5FFFF;
	_ =	strace $0x90000046  }
0xb2: {  	s29 =	simm.s32 $0x9;
	_ =	strace $0x80000048  }
0xb3: {  	_ =	swait.ge [sflag:s29], $0x1  }
0xb4: {  	[sflag:s29] =	ssyncadd.s32 $0xFFFFFFFF  }
0xb5: {  	_ =	strace $0x90000048  }
0xb6: {  	_ =	sfence  }
0xb7: {  	s30 =	sld [smem:$0x0];
	_ =	sdelay $0x2  }
0xb8: {  	s31 =	sshll.u32 s1, $0xD;
	s1 =	sshrl.u32 s1, $0x2  }
0xb9: {  	s3 =	sand.u32 $0x4000, s31;
	s1 =	sadd.s32 s1, s30  }
0xba: {  	s0 =	sor.u32 s3, s0;
	s1 =	sshll.u32 s1, $0x11  }
0xbb: {  	s0 =	sor.u32 s1, s0  }
0xbc: {  	s0 =	sadd.s32 $0x8F2B, s0  }
0xbd: {  	[sflag:s0] =	ssyncadd.remote.s32 $0x1  }
0xbe: {  	_ =	sfence.sel $0xFFFF  }
0xbf: {  	[dreg:$0x0] =	wrdreg $0xFFFFFFFF;
	(pc) =	sbr.abs _section_cstart, $3  }
0xc0: {  	[dreg:$0x1] =	wrdreg $0xFFFFFFFF  }
0xc1: {  	_ =	task.clear_ibuf [dreg:s7], $0x2FFFF;
	_ =	strace $0x9FFFFFFF  }
0xc2: {  	(tm) =	ssettm $0x7FFFFFFF  }
0xc3: {  	_ =	shalt  }
tec
execute0_lowered:
.L_overlay_start_1:
0x0: {  	(tag) =	ssettag $0x1  }
0x1: {  	s1 =	srdreg.scid;
	s0 =	stileid.u32  }
0x2: {  	s5 =	rddreg [dreg:$0x0];
	s10 =	sand.u32 $0x1, s1;
	s30 =	sshll.u32 s0, $0x1  }
0x3: {  	s11 =	rddreg [dreg:$0x1];
	s12 =	sor.u32 s10, s30  }
0x4: {  	s2 =	simm.s32 $0x0;
	s1 =	rddreg [dreg:$0x2];
	s3 =	sshll.u32 s12, $0x5  }
0x5: {  	[smem:$0x7FF] =	sst s2;
	s3 =	sadd.s32 s3, s5  }
0x6: {  	_ =	strace $0x80000047;
	s4 =	sadd.s32 $0x2800, s3;
	s3 =	simm.s32 $0x3  }
0x7: {  	[tilespmem:s2], [sflag:$0x3] =	stream.linear.gather [hbm4b:s4+s2], $0x100, $0x38;
	[tilespmem:$0x4100] =	vst v63  }
0x8: {  	_ =	swait.ge [sflag:s3], $0x100  }
0x9: {  	s6 =	simm.s32 $0x80;
	[sflag:s3] =	ssyncset.done $0x0  }
0xa: {  	s7 =	simm.s32 $0x100;
	s5 =	sadd.s32 $0x2C00, s5;
	[sflag:s3] =	ssyncadd.s32 $0xFFFFFF00  }
0xb: {  	[tilespmem:s7], [sflag:$0x1] =	stream.indirect.gather [hbm4b:s5+s6], $0x40, s2, s6, $0xb8;
	[tilespmem:$0x4100] =	vst v63  }
0xc: {  	s8 =	simm.s32 $0x2100;
	s9 =	simm.s32 $0x1;
	s13 =	ssub.s32 $0x2, s10  }
0xd: {  	[tilespmem:s8], [sflag:$0x2] =	stream.indirect.gather [hbm4b:s5+s6], $0x40, s6, s6, $0xb8;
	[tilespmem:$0x4100] =	vst v63  }
0xe: {  	s14 =	sshrl.u32 s13, $0x1;
	_ =	swait.ge [sflag:s9], $0x2000  }
0xf: {  	s13 =	ssub.s32 s13, s14;
	[sflag:s9] =	ssyncset.done $0x0  }
0x10: {  	s10 =	simm.s32 $0x2;
	s31 =	smax.u32 s13, $0x1;
	[sflag:s9] =	ssyncadd.s32 $0xFFFFE000  }
0x11: {  	p0 =	sne.s32 s31, $0x1;
	_ =	swait.ge [sflag:s10], $0x2000  }
.Ltmp0:
0x12: {  	s12 =	sshll.u32 s12, $0xB;
	[sflag:s10] =	ssyncset.done $0x0;
	(pc) =	sbr.rel @!p0 .LBB2_2-.Ltmp0, $4  }
0x13: {  	s11 =	sadd.s32 s11, s12;
	[sflag:s10] =	ssyncadd.s32 $0xFFFFE000  }
0x14: {  	[hbm4b:s11+s2] =	stream.linear.scatter [tilespmem:s7], [sflag:$0x3], $0x4000, $0x38;
	[tilespmem:$0x4100] =	vst v63  }
0x15: {  	_ =	swait.ge [sflag:s3], $0x4000  }
0x16: {  	s12 =	sadd.s32 $0xFFFFFFFF, s31;
	[sflag:s3] =	ssyncset.done $0x0  }
.LBB2_1:
0x17: {  	p0 =	sne.s32 s12, $0x1;
	s12 =	sadd.s32 $0xFFFFFFFF, s12;
	[sflag:s3] =	ssyncadd.s32 $0xFFFFC000  }
0x18: {  	[tilespmem:s2], [sflag:$0x3] =	stream.linear.gather [hbm4b:s4+s2], $0x100, $0x38;
	[tilespmem:$0x4100] =	vst v63  }
0x19: {  	_ =	swait.ge [sflag:s3], $0x100  }
0x1a: {  	[sflag:s3] =	ssyncset.done $0x0  }
0x1b: {  	[sflag:s3] =	ssyncadd.s32 $0xFFFFFF00  }
0x1c: {  	[tilespmem:s7], [sflag:$0x1] =	stream.indirect.gather [hbm4b:s5+s6], $0x40, s2, s6, $0xb8;
	[tilespmem:$0x4100] =	vst v63  }
0x1d: {  	_ = 	snop  }
0x1e: {  	[tilespmem:s8], [sflag:$0x2] =	stream.indirect.gather [hbm4b:s5+s6], $0x40, s6, s6, $0xb8;
	[tilespmem:$0x4100] =	vst v63  }
0x1f: {  	_ =	swait.ge [sflag:s9], $0x2000  }
0x20: {  	[sflag:s9] =	ssyncset.done $0x0  }
0x21: {  	[sflag:s9] =	ssyncadd.s32 $0xFFFFE000  }
0x22: {  	_ =	swait.ge [sflag:s10], $0x2000  }
.Ltmp1:
0x23: {  	[sflag:s10] =	ssyncset.done $0x0;
	(pc) =	sbr.rel @p0 .LBB2_1-.Ltmp1, $4  }
0x24: {  	[sflag:s10] =	ssyncadd.s32 $0xFFFFE000  }
0x25: {  	[hbm4b:s11+s2] =	stream.linear.scatter [tilespmem:s7], [sflag:$0x3], $0x4000, $0x38;
	[tilespmem:$0x4100] =	vst v63  }
0x26: {  	_ =	swait.ge [sflag:s3], $0x4000  }
0x27: {  	[sflag:s3] =	ssyncset.done $0x0  }
.LBB2_2:
0x28: {  	[sflag:s3] =	ssyncadd.s32 $0xFFFFC000  }
0x29: {  	_ =	sfence.sel $0x180000  }
0x2a: {  	[bflag:$0x0] =	sbarrier.arrive $0xFFFF  }
0x2b: {  	p0 =	sne.s32 s0, $0x0;
	_ =	strace $0x90000047  }
0x2c: {  	s0 =	sadd.s32 @!p0 $0x100000, s1;
	[bflag:$0x2] =	sbarrier.arrive $0xFFFF  }
0x2d: {  	[sflag:s0] =	ssyncadd.tile.s32 @!p0 $0x1;
	_ =	shalt  }
.Lfunc_end2:
_tile_overlayer_lowered:
.L_overlay_start_2:
0x2e: {  	(tag) =	ssettag $0x2  }
0x2f: {  	s0 =	rddreg [dreg:$0x0];
	s2 =	stileid.u32  }
0x30: {  	s1 =	rddreg [dreg:$0x1];
	p0 =	sne.s32 s2, $0x0  }
0x31: {  	s3 =	rddreg [dreg:$0x2];
	[bflag:$0x3] =	sbarrier.arrive $0xFFFF;
	s2 =	simm.s32 @!p0 $0x1C03  }
0x32: {  	[timem:s3], [sflag:s2] =	dma.local @!p0 [hbm:s0], s1  }
0x33: {  	s0 =	simm.s32 @!p0 $0x3  }
0x34: {  	_ =	swait.ge @!p0 [sflag:s0], s1  }
0x35: {  	s1 =	ssub.s32 @!p0 $0x0, s1;
	[sflag:s0] =	ssyncset.done @!p0 $0x0  }
0x36: {  	[sflag:s0] =	ssyncadd.s32 @!p0 s1  }
0x37: {  	[bflag:$0x3] =	sbarrier.arrive $0xFFFF  }
0x38: {  	_ =	shalt  }

</sc_bundles>
